<compile_context>
chip_gen: v7x
topology: tpu7x:2x2x1
jax: 0.10.2.dev20260603
libtpu: 0.0.44.dev20260713+nightly
codegen_flags: <defaults>
</compile_context>

<pallas_src>
import functools

import jax
import jax.numpy as jnp
from jax import lax
from jax.experimental import pallas as pl
from jax.experimental.pallas import tpu as pltpu
from jax.experimental.pallas import tpu_sc as plsc

N = 10000
E = 320000
D = 128

NC = 2
NS = 16
NW = NC * NS
EPW = E // NW
CW = 125
NCH = EPW // CW
HALF = NCH // 2
NP = 10240
RPT = NP // NS


@functools.cache
def _sc_kernels():
    mesh = plsc.VectorSubcoreMesh(core_axis_name="c", subcore_axis_name="s",
                                  num_cores=NC, num_subcores=NS)

    @functools.partial(
        pl.kernel,
        out_type=jax.ShapeDtypeStruct((NC, NP, D), jnp.float32),
        mesh=mesh,
        scratch_types=[
            pltpu.VMEM((NCH, CW), jnp.int32),
            pltpu.VMEM((CW, D), jnp.float32),
            pltpu.VMEM_SHARED((NP, D), jnp.float32),
            pltpu.SemaphoreType.DMA,
        ],
    )
    def deg_kernel(dst_hbm, ones_hbm, zeros_hbm, out_hbm,
                   dst_v, ones_v, acc, sem):
        c = lax.axis_index("c")
        s = lax.axis_index("s")
        wid = c * NS + s
        pltpu.sync_copy(zeros_hbm, acc.at[pl.ds(s * RPT, RPT)])
        pltpu.sync_copy(ones_hbm, ones_v)
        pltpu.sync_copy(dst_hbm.at[wid], dst_v)
        plsc.subcore_barrier()

        def body(j, carry):
            pltpu.sync_copy(ones_v, acc.at[dst_v.at[j]], add=True)
            return carry

        lax.fori_loop(0, NCH, body, 0)
        plsc.subcore_barrier()
        pltpu.sync_copy(acc.at[pl.ds(s * RPT, RPT)],
                        out_hbm.at[c, pl.ds(s * RPT, RPT)])

    @functools.partial(
        pl.kernel,
        out_type=jax.ShapeDtypeStruct((NC, NP, D), jnp.float32),
        mesh=mesh,
        scratch_types=[
            pltpu.VMEM((HALF, CW), jnp.int32),
            pltpu.VMEM((HALF, CW), jnp.int32),
            pltpu.VMEM((CW, D), jnp.float32),
            pltpu.VMEM((CW, D), jnp.float32),
            pltpu.VMEM_SHARED((NP, D), jnp.float32),
            pltpu.SemaphoreType.DMA,
            pltpu.SemaphoreType.DMA,
        ],
    )
    def agg_kernel(ht_hbm, src_hbm, dst_hbm, zeros_hbm, out_hbm,
                   src_v, dst_v, b0, b1, acc, s0, s1):
        c = lax.axis_index("c")
        s = lax.axis_index("s")
        wid = c * NS + s
        pltpu.sync_copy(zeros_hbm, acc.at[pl.ds(s * RPT, RPT)])
        plsc.subcore_barrier()

        def body(jj, carry):
            j0 = 2 * jj
            j1 = j0 + 1
            j2 = jnp.minimum(j0 + 2, HALF - 1)
            pltpu.async_copy(ht_hbm.at[src_v.at[j1]], b1, s1)
            pltpu.make_async_copy(ht_hbm.at[src_v.at[j0]], b0, s0).wait()
            pltpu.sync_copy(b0, acc.at[dst_v.at[j0]], add=True)
            pltpu.async_copy(ht_hbm.at[src_v.at[j2]], b0, s0)
            pltpu.make_async_copy(ht_hbm.at[src_v.at[j1]], b1, s1).wait()
            pltpu.sync_copy(b1, acc.at[dst_v.at[j1]], add=True)
            return carry

        for h in range(2):
            pltpu.sync_copy(src_hbm.at[wid, pl.ds(h * HALF, HALF)], src_v)
            pltpu.sync_copy(dst_hbm.at[wid, pl.ds(h * HALF, HALF)], dst_v)
            pltpu.async_copy(ht_hbm.at[src_v.at[0]], b0, s0)
            lax.fori_loop(0, HALF // 2, body, 0)
            pltpu.make_async_copy(ht_hbm.at[src_v.at[HALF - 1]], b0, s0).wait()
        plsc.subcore_barrier()
        pltpu.sync_copy(acc.at[pl.ds(s * RPT, RPT)],
                        out_hbm.at[c, pl.ds(s * RPT, RPT)])

    return deg_kernel, agg_kernel



_BLK = 1000
_GRID = N // _BLK


def _dinv_of(degp):
    deg = degp[0, :, 0:1] + degp[1, :, 0:1] + 1.0
    return lax.rsqrt(deg)


def _mm_body(x_ref, w_ref, xw_ref):
    xw_ref[...] = jnp.dot(x_ref[...], w_ref[...],
                          preferred_element_type=jnp.float32)


def _scale_body(xw_ref, degp_ref, ht_ref):
    ht_ref[...] = xw_ref[...] * _dinv_of(degp_ref)


def _mid_body(aggp_ref, ht1_ref, degp_ref, w2_ref, b1_ref, h_ref, ht2_ref):
    dinv = _dinv_of(degp_ref)
    x1 = dinv * (aggp_ref[0] + aggp_ref[1] + ht1_ref[...]) + b1_ref[...]
    h = jnp.maximum(x1, 0.0)
    h_ref[...] = h
    ht2_ref[...] = jnp.dot(h, w2_ref[...],
                           preferred_element_type=jnp.float32) * dinv


def _post_body(aggp_ref, ht2_ref, degp_ref, b2_ref, out_ref):
    dinv = _dinv_of(degp_ref)
    out_ref[...] = dinv * (aggp_ref[0] + aggp_ref[1] + ht2_ref[...]) + b2_ref[...]


_spec_rows = pl.BlockSpec((_BLK, D), lambda i: (i, 0))
_spec_degp = pl.BlockSpec((NC, _BLK, D), lambda i: (0, i, 0))
_spec_aggp = pl.BlockSpec((NC, _BLK, D), lambda i: (0, i, 0))
_spec_w = pl.BlockSpec((D, D), lambda i: (0, 0))
_spec_b = pl.BlockSpec((1, D), lambda i: (0, 0))

_mm = pl.pallas_call(
    _mm_body,
    grid=(_GRID,),
    in_specs=[_spec_rows, _spec_w],
    out_specs=_spec_rows,
    out_shape=jax.ShapeDtypeStruct((N, D), jnp.float32),
)

_scale = pl.pallas_call(
    _scale_body,
    grid=(_GRID,),
    in_specs=[_spec_rows, _spec_degp],
    out_specs=_spec_rows,
    out_shape=jax.ShapeDtypeStruct((N, D), jnp.float32),
)

_mid = pl.pallas_call(
    _mid_body,
    grid=(_GRID,),
    in_specs=[_spec_aggp, _spec_rows, _spec_degp, _spec_w, _spec_b],
    out_specs=[_spec_rows, _spec_rows],
    out_shape=[jax.ShapeDtypeStruct((N, D), jnp.float32),
               jax.ShapeDtypeStruct((N, D), jnp.float32)],
)

_post = pl.pallas_call(
    _post_body,
    grid=(_GRID,),
    in_specs=[_spec_aggp, _spec_rows, _spec_degp, _spec_b],
    out_specs=_spec_rows,
    out_shape=jax.ShapeDtypeStruct((N, D), jnp.float32),
)


def kernel(x, edge_index, W1, b1, W2, b2):
    src = edge_index[0].reshape(NW, NCH, CW)
    dst = edge_index[1].reshape(NW, NCH, CW)
    onesrows = jnp.ones((CW, D), jnp.float32)
    zrows = jnp.zeros((RPT, D), jnp.float32)
    b1r = b1.reshape(1, D)
    b2r = b2.reshape(1, D)

    deg_kernel, agg_kernel = _sc_kernels()
    degp = deg_kernel(dst, onesrows, zrows)
    xw1 = _mm(x, W1)
    ht1 = _scale(xw1, degp)
    aggp1 = agg_kernel(ht1, src, dst, zrows)
    h, ht2 = _mid(aggp1, ht1, degp, W2, b1r)
    aggp2 = agg_kernel(ht2, src, dst, zrows)
    out = _post(aggp2, ht2, degp, b2r)
    return (out, h)

# --- scband reference (transcript-rebuilt; emitter-appended) ---
"""Pipeline reference for scband-mlp-6502580486167 (READ-ONLY COPY).

The authoritative reference and input builder live on the scoring server;
editing this copy changes nothing except your own understanding.
"""

import jax, jax.numpy as jnp
import numpy as np

N_NODES = 10000
N_EDGES = 320000
D_IN = 128
D_HID = 128
D_OUT = 128


def gcn_conv(x, edge_index, W, b):
    # Faithful PyG GCNConv: add self-loops, symmetric normalization,
    # linear transform, scatter-add aggregation, bias.
    n = x.shape[0]
    src = edge_index[0]
    dst = edge_index[1]
    loop = jnp.arange(n, dtype=src.dtype)
    src = jnp.concatenate([src, loop])
    dst = jnp.concatenate([dst, loop])
    ones = jnp.ones(src.shape[0], dtype=x.dtype)
    deg = jax.ops.segment_sum(ones, dst, num_segments=n)
    dinv = jax.lax.rsqrt(jnp.maximum(deg, 1e-12))
    norm = dinv[src] * dinv[dst]
    h = x @ W
    msg = h[src] * norm[:, None]
    out = jax.ops.segment_sum(msg, dst, num_segments=n)
    return out + b


def setup_inputs(seed: int = 0):
    key = jax.random.key(seed)
    k1, k2, k3, k4 = jax.random.split(key, 4)
    x = jax.random.normal(k1, (N_NODES, D_IN), dtype=jnp.float32)
    edge_index = jax.random.randint(k2, (2, N_EDGES), 0, N_NODES, dtype=jnp.int32)
    W1 = jax.random.normal(k3, (D_IN, D_HID), dtype=jnp.float32) / np.sqrt(D_IN)
    b1 = jnp.zeros((D_HID,), dtype=jnp.float32)
    W2 = jax.random.normal(k4, (D_HID, D_OUT), dtype=jnp.float32) / np.sqrt(D_HID)
    b2 = jnp.zeros((D_OUT,), dtype=jnp.float32)
    return {"x": x, "edge_index": edge_index, "W1": W1, "b1": b1, "W2": W2, "b2": b2}


def reference(x, edge_index, W1, b1, W2, b2):
    # embed GCNConv
    x1 = gcn_conv(x, edge_index, W1, b1)
    # ReLU activation
    h = jax.nn.relu(x1)
    # Dropout(0.5) is identity in eval mode (deterministic reference)
    # classifier GCNConv
    out = gcn_conv(h, edge_index, W2, b2)
    return (out, h)

if __name__ == "__main__":
    import jax
    _d = setup_inputs()
    print(jax.jit(kernel)(*tuple(_d.values())))

</pallas_src>

<mosaic_0001>
#map = affine_map<(d0, d1) -> (0, 0)>
#map1 = affine_map<(d0, d1) -> (0, 0, 0)>
module attributes {stable_mosaic.version = 14 : i64} {
  func.func @agg_kernel(%arg0: i32, %arg1: i32, %arg2: memref<10000x128xf32, #tpu.memory_space<hbm>>, %arg3: memref<32x80x125xi32, #tpu.memory_space<hbm>>, %arg4: memref<32x80x125xi32, #tpu.memory_space<hbm>>, %arg5: memref<640x128xf32, #tpu.memory_space<hbm>>, %arg6: memref<2x10240x128xf32, #tpu.memory_space<hbm>>, %arg7: memref<40x125xi32, #tpu.memory_space<vmem>>, %arg8: memref<40x125xi32, #tpu.memory_space<vmem>>, %arg9: memref<125x128xf32, #tpu.memory_space<vmem>>, %arg10: memref<125x128xf32, #tpu.memory_space<vmem>>, %arg11: memref<10240x128xf32, #tpu.memory_space<vmem_shared>>, %arg12: memref<!tpu.dma_semaphore, #tpu.memory_space<semaphore_mem>>, %arg13: memref<!tpu.dma_semaphore, #tpu.memory_space<semaphore_mem>>) attributes {dimension_semantics = [#tpu.dimension_semantics<core_parallel>, #tpu.dimension_semantics<subcore_parallel>], iteration_bounds = array<i64: 2, 16>, scalar_prefetch = 0 : i64, scratch_operands = 7 : i64, tpu.core_type = #tpu.core_type<sc_vector_subcore>, window_params = [{transform_indices = #map}, {transform_indices = #map1}, {transform_indices = #map1}, {transform_indices = #map}, {transform_indices = #map1}]} {
    %mul3A = arith.constant 16 : i32
    %mul3A_0 = arith.muli %arg0, %mul3A : i32
    %add3A = arith.addi %mul3A_0, %arg1 : i32
    %mul3A_1 = arith.constant 640 : i32
    %mul3A_2 = arith.muli %arg1, %mul3A_1 : i32
    "tpu.region"() ({
      %run_scoped3A = tpu.sem_alloc : memref<!tpu.dma_semaphore, #tpu.memory_space<semaphore_mem>>
      %dma_start3A_45 = arith.constant 0 : i32
      %dma_start3A_46 = tpu.memref_slice %arg11[%mul3A_2, %dma_start3A_45] : memref<10240x128xf32, #tpu.memory_space<vmem_shared>> -> memref<640x128xf32, #tpu.memory_space<vmem_shared>>
      tpu.enqueue_dma source(%arg5 : memref<640x128xf32, #tpu.memory_space<hbm>>) target(%dma_start3A_46 : memref<640x128xf32, #tpu.memory_space<vmem_shared>>) target_semaphore(%run_scoped3A : memref<!tpu.dma_semaphore, #tpu.memory_space<semaphore_mem>>)
      %dma_wait3A_47 = arith.constant 0 : i32
      %dma_wait3A_48 = tpu.memref_slice %arg11[%mul3A_2, %dma_wait3A_47] : memref<10240x128xf32, #tpu.memory_space<vmem_shared>> -> memref<640x128xf32, #tpu.memory_space<vmem_shared>>
      tpu.wait_dma2 semaphore(%run_scoped3A : memref<!tpu.dma_semaphore, #tpu.memory_space<semaphore_mem>>) src(%arg5 : memref<640x128xf32, #tpu.memory_space<hbm>>) dst(%dma_wait3A_48 : memref<640x128xf32, #tpu.memory_space<vmem_shared>>)
      tpu.yield
    }) : () -> ()
    %barrier3A = arith.constant 0 : index
    tpu.barrier barrier_id(%barrier3A)
    "tpu.region"() ({
      %run_scoped3A = tpu.sem_alloc : memref<!tpu.dma_semaphore, #tpu.memory_space<semaphore_mem>>
      %dma_start3A_45 = arith.constant 0 : i32
      %dma_start3A_46 = arith.constant 0 : i32
      %dma_start3A_47 = tpu.memref_slice %arg3[%add3A, %dma_start3A_45, %dma_start3A_46] : memref<32x80x125xi32, #tpu.memory_space<hbm>> -> memref<1x40x125xi32, #tpu.memory_space<hbm>>
      %dma_start3A_48 = tpu.memref_squeeze %dma_start3A_47 : memref<1x40x125xi32, #tpu.memory_space<hbm>> -> memref<40x125xi32, #tpu.memory_space<hbm>>
      %dma_start3A_49 = arith.constant 0 : i32
      %dma_start3A_50 = arith.constant 0 : i32
      %dma_start3A_51 = tpu.memref_slice %arg3[%add3A, %dma_start3A_49, %dma_start3A_50] : memref<32x80x125xi32, #tpu.memory_space<hbm>> -> memref<1x40x125xi32, #tpu.memory_space<hbm>>
      %dma_start3A_52 = tpu.memref_squeeze %dma_start3A_51 : memref<1x40x125xi32, #tpu.memory_space<hbm>> -> memref<40x125xi32, #tpu.memory_space<hbm>>
      tpu.enqueue_dma source(%dma_start3A_52 : memref<40x125xi32, #tpu.memory_space<hbm>>) target(%arg7 : memref<40x125xi32, #tpu.memory_space<vmem>>) target_semaphore(%run_scoped3A : memref<!tpu.dma_semaphore, #tpu.memory_space<semaphore_mem>>)
      %dma_wait3A_53 = arith.constant 0 : i32
      %dma_wait3A_54 = arith.constant 0 : i32
      %dma_wait3A_55 = tpu.memref_slice %arg3[%add3A, %dma_wait3A_53, %dma_wait3A_54] : memref<32x80x125xi32, #tpu.memory_space<hbm>> -> memref<1x40x125xi32, #tpu.memory_space<hbm>>
      %dma_wait3A_56 = tpu.memref_squeeze %dma_wait3A_55 : memref<1x40x125xi32, #tpu.memory_space<hbm>> -> memref<40x125xi32, #tpu.memory_space<hbm>>
      %dma_wait3A_57 = arith.constant 0 : i32
      %dma_wait3A_58 = arith.constant 0 : i32
      %dma_wait3A_59 = tpu.memref_slice %arg3[%add3A, %dma_wait3A_57, %dma_wait3A_58] : memref<32x80x125xi32, #tpu.memory_space<hbm>> -> memref<1x40x125xi32, #tpu.memory_space<hbm>>
      %dma_wait3A_60 = tpu.memref_squeeze %dma_wait3A_59 : memref<1x40x125xi32, #tpu.memory_space<hbm>> -> memref<40x125xi32, #tpu.memory_space<hbm>>
      tpu.wait_dma2 semaphore(%run_scoped3A : memref<!tpu.dma_semaphore, #tpu.memory_space<semaphore_mem>>) src(%dma_wait3A_60 : memref<40x125xi32, #tpu.memory_space<hbm>>) dst(%arg7 : memref<40x125xi32, #tpu.memory_space<vmem>>)
      tpu.yield
    }) : () -> ()
    "tpu.region"() ({
      %run_scoped3A = tpu.sem_alloc : memref<!tpu.dma_semaphore, #tpu.memory_space<semaphore_mem>>
      %dma_start3A_45 = arith.constant 0 : i32
      %dma_start3A_46 = arith.constant 0 : i32
      %dma_start3A_47 = tpu.memref_slice %arg4[%add3A, %dma_start3A_45, %dma_start3A_46] : memref<32x80x125xi32, #tpu.memory_space<hbm>> -> memref<1x40x125xi32, #tpu.memory_space<hbm>>
      %dma_start3A_48 = tpu.memref_squeeze %dma_start3A_47 : memref<1x40x125xi32, #tpu.memory_space<hbm>> -> memref<40x125xi32, #tpu.memory_space<hbm>>
      %dma_start3A_49 = arith.constant 0 : i32
      %dma_start3A_50 = arith.constant 0 : i32
      %dma_start3A_51 = tpu.memref_slice %arg4[%add3A, %dma_start3A_49, %dma_start3A_50] : memref<32x80x125xi32, #tpu.memory_space<hbm>> -> memref<1x40x125xi32, #tpu.memory_space<hbm>>
      %dma_start3A_52 = tpu.memref_squeeze %dma_start3A_51 : memref<1x40x125xi32, #tpu.memory_space<hbm>> -> memref<40x125xi32, #tpu.memory_space<hbm>>
      tpu.enqueue_dma source(%dma_start3A_52 : memref<40x125xi32, #tpu.memory_space<hbm>>) target(%arg8 : memref<40x125xi32, #tpu.memory_space<vmem>>) target_semaphore(%run_scoped3A : memref<!tpu.dma_semaphore, #tpu.memory_space<semaphore_mem>>)
      %dma_wait3A_53 = arith.constant 0 : i32
      %dma_wait3A_54 = arith.constant 0 : i32
      %dma_wait3A_55 = tpu.memref_slice %arg4[%add3A, %dma_wait3A_53, %dma_wait3A_54] : memref<32x80x125xi32, #tpu.memory_space<hbm>> -> memref<1x40x125xi32, #tpu.memory_space<hbm>>
      %dma_wait3A_56 = tpu.memref_squeeze %dma_wait3A_55 : memref<1x40x125xi32, #tpu.memory_space<hbm>> -> memref<40x125xi32, #tpu.memory_space<hbm>>
      %dma_wait3A_57 = arith.constant 0 : i32
      %dma_wait3A_58 = arith.constant 0 : i32
      %dma_wait3A_59 = tpu.memref_slice %arg4[%add3A, %dma_wait3A_57, %dma_wait3A_58] : memref<32x80x125xi32, #tpu.memory_space<hbm>> -> memref<1x40x125xi32, #tpu.memory_space<hbm>>
      %dma_wait3A_60 = tpu.memref_squeeze %dma_wait3A_59 : memref<1x40x125xi32, #tpu.memory_space<hbm>> -> memref<40x125xi32, #tpu.memory_space<hbm>>
      tpu.wait_dma2 semaphore(%run_scoped3A : memref<!tpu.dma_semaphore, #tpu.memory_space<semaphore_mem>>) src(%dma_wait3A_60 : memref<40x125xi32, #tpu.memory_space<hbm>>) dst(%arg8 : memref<40x125xi32, #tpu.memory_space<vmem>>)
      tpu.yield
    }) : () -> ()
    %dma_start3A = arith.constant 0 : i32
    %dma_start3A_3 = arith.constant 0 : i32
    %dma_start3A_4 = tpu.memref_slice %arg7[%dma_start3A, %dma_start3A_3] : memref<40x125xi32, #tpu.memory_space<vmem>> -> memref<1x125xi32, #tpu.memory_space<vmem>>
    %dma_start3A_5 = tpu.memref_squeeze %dma_start3A_4 : memref<1x125xi32, #tpu.memory_space<vmem>> -> memref<125xi32, #tpu.memory_space<vmem>>
    %dma_start3A_6 = arith.constant 0 : i32
    %dma_start3A_7 = arith.constant 0 : i32
    %dma_start3A_8 = tpu.memref_slice %arg2[%dma_start3A_6, %dma_start3A_7] : memref<10000x128xf32, #tpu.memory_space<hbm>> -> memref<10000x128xf32, #tpu.memory_space<hbm>>
    tpu.enqueue_indirect_dma source(%dma_start3A_8 : memref<10000x128xf32, #tpu.memory_space<hbm>>) target(%arg9 : memref<125x128xf32, #tpu.memory_space<vmem>>) offsets(%dma_start3A_5 : memref<125xi32, #tpu.memory_space<vmem>>) semaphore(%arg12 : memref<!tpu.dma_semaphore, #tpu.memory_space<semaphore_mem>>)
    %scan3A = arith.constant 0 : i32
    %scan3A_9 = arith.constant 0 : i32
    %scan3A_10 = arith.constant 20 : i32
    %scan3A_11 = arith.addi %scan3A_9, %scan3A_10 : i32
    %scan3A_12 = arith.constant 1 : i32
    scf.for %scan3A_45 = %scan3A_9 to %scan3A_11 step %scan3A_12  : i32 {
      %mul3A_46 = arith.constant 2 : i32
      %mul3A_47 = arith.muli %mul3A_46, %scan3A_45 : i32
      %add3A_48 = arith.constant 1 : i32
      %add3A_49 = arith.addi %mul3A_47, %add3A_48 : i32
      %add3A_50 = arith.constant 2 : i32
      %add3A_51 = arith.addi %mul3A_47, %add3A_50 : i32
      %min3A = arith.constant 39 : i32
      %min3A_52 = arith.minsi %add3A_51, %min3A : i32
      %dma_start3A_53 = arith.constant 0 : i32
      %dma_start3A_54 = tpu.memref_slice %arg7[%add3A_49, %dma_start3A_53] : memref<40x125xi32, #tpu.memory_space<vmem>> -> memref<1x125xi32, #tpu.memory_space<vmem>>
      %dma_start3A_55 = tpu.memref_squeeze %dma_start3A_54 : memref<1x125xi32, #tpu.memory_space<vmem>> -> memref<125xi32, #tpu.memory_space<vmem>>
      %dma_start3A_56 = arith.constant 0 : i32
      %dma_start3A_57 = arith.constant 0 : i32
      %dma_start3A_58 = tpu.memref_slice %arg2[%dma_start3A_56, %dma_start3A_57] : memref<10000x128xf32, #tpu.memory_space<hbm>> -> memref<10000x128xf32, #tpu.memory_space<hbm>>
      tpu.enqueue_indirect_dma source(%dma_start3A_58 : memref<10000x128xf32, #tpu.memory_space<hbm>>) target(%arg10 : memref<125x128xf32, #tpu.memory_space<vmem>>) offsets(%dma_start3A_55 : memref<125xi32, #tpu.memory_space<vmem>>) semaphore(%arg13 : memref<!tpu.dma_semaphore, #tpu.memory_space<semaphore_mem>>)
      %dma_wait3A_59 = arith.constant 0 : i32
      %dma_wait3A_60 = tpu.memref_slice %arg7[%mul3A_47, %dma_wait3A_59] : memref<40x125xi32, #tpu.memory_space<vmem>> -> memref<1x125xi32, #tpu.memory_space<vmem>>
      %dma_wait3A_61 = tpu.memref_squeeze %dma_wait3A_60 : memref<1x125xi32, #tpu.memory_space<vmem>> -> memref<125xi32, #tpu.memory_space<vmem>>
      %dma_wait3A_62 = arith.constant 0 : i32
      %dma_wait3A_63 = arith.constant 0 : i32
      %dma_wait3A_64 = tpu.memref_slice %arg2[%dma_wait3A_62, %dma_wait3A_63] : memref<10000x128xf32, #tpu.memory_space<hbm>> -> memref<10000x128xf32, #tpu.memory_space<hbm>>
      tpu.wait_indirect_dma semaphore(%arg12 : memref<!tpu.dma_semaphore, #tpu.memory_space<semaphore_mem>>) src(%dma_wait3A_64 : memref<10000x128xf32, #tpu.memory_space<hbm>>) dst(%arg9 : memref<125x128xf32, #tpu.memory_space<vmem>>)
      "tpu.region"() ({
        %run_scoped3A = tpu.sem_alloc : memref<!tpu.dma_semaphore, #tpu.memory_space<semaphore_mem>>
        %dma_start3A_77 = arith.constant 0 : i32
        %dma_start3A_78 = tpu.memref_slice %arg8[%mul3A_47, %dma_start3A_77] : memref<40x125xi32, #tpu.memory_space<vmem>> -> memref<1x125xi32, #tpu.memory_space<vmem>>
        %dma_start3A_79 = tpu.memref_squeeze %dma_start3A_78 : memref<1x125xi32, #tpu.memory_space<vmem>> -> memref<125xi32, #tpu.memory_space<vmem>>
        %dma_start3A_80 = arith.constant 0 : i32
        %dma_start3A_81 = arith.constant 0 : i32
        %dma_start3A_82 = tpu.memref_slice %arg11[%dma_start3A_80, %dma_start3A_81] : memref<10240x128xf32, #tpu.memory_space<vmem_shared>> -> memref<10240x128xf32, #tpu.memory_space<vmem_shared>>
        tpu.enqueue_indirect_dma source(%arg9 : memref<125x128xf32, #tpu.memory_space<vmem>>) target(%dma_start3A_82 : memref<10240x128xf32, #tpu.memory_space<vmem_shared>>) offsets(%dma_start3A_79 : memref<125xi32, #tpu.memory_space<vmem>>) semaphore(%run_scoped3A : memref<!tpu.dma_semaphore, #tpu.memory_space<semaphore_mem>>) {add = true}
        %dma_wait3A_83 = arith.constant 0 : i32
        %dma_wait3A_84 = tpu.memref_slice %arg8[%mul3A_47, %dma_wait3A_83] : memref<40x125xi32, #tpu.memory_space<vmem>> -> memref<1x125xi32, #tpu.memory_space<vmem>>
        %dma_wait3A_85 = tpu.memref_squeeze %dma_wait3A_84 : memref<1x125xi32, #tpu.memory_space<vmem>> -> memref<125xi32, #tpu.memory_space<vmem>>
        %dma_wait3A_86 = arith.constant 0 : i32
        %dma_wait3A_87 = arith.constant 0 : i32
        %dma_wait3A_88 = tpu.memref_slice %arg11[%dma_wait3A_86, %dma_wait3A_87] : memref<10240x128xf32, #tpu.memory_space<vmem_shared>> -> memref<10240x128xf32, #tpu.memory_space<vmem_shared>>
        tpu.wait_indirect_dma semaphore(%run_scoped3A : memref<!tpu.dma_semaphore, #tpu.memory_space<semaphore_mem>>) src(%arg9 : memref<125x128xf32, #tpu.memory_space<vmem>>) dst(%dma_wait3A_88 : memref<10240x128xf32, #tpu.memory_space<vmem_shared>>)
        tpu.yield
      }) : () -> ()
      %dma_start3A_65 = arith.constant 0 : i32
      %dma_start3A_66 = tpu.memref_slice %arg7[%min3A_52, %dma_start3A_65] : memref<40x125xi32, #tpu.memory_space<vmem>> -> memref<1x125xi32, #tpu.memory_space<vmem>>
      %dma_start3A_67 = tpu.memref_squeeze %dma_start3A_66 : memref<1x125xi32, #tpu.memory_space<vmem>> -> memref<125xi32, #tpu.memory_space<vmem>>
      %dma_start3A_68 = arith.constant 0 : i32
      %dma_start3A_69 = arith.constant 0 : i32
      %dma_start3A_70 = tpu.memref_slice %arg2[%dma_start3A_68, %dma_start3A_69] : memref<10000x128xf32, #tpu.memory_space<hbm>> -> memref<10000x128xf32, #tpu.memory_space<hbm>>
      tpu.enqueue_indirect_dma source(%dma_start3A_70 : memref<10000x128xf32, #tpu.memory_space<hbm>>) target(%arg9 : memref<125x128xf32, #tpu.memory_space<vmem>>) offsets(%dma_start3A_67 : memref<125xi32, #tpu.memory_space<vmem>>) semaphore(%arg12 : memref<!tpu.dma_semaphore, #tpu.memory_space<semaphore_mem>>)
      %dma_wait3A_71 = arith.constant 0 : i32
      %dma_wait3A_72 = tpu.memref_slice %arg7[%add3A_49, %dma_wait3A_71] : memref<40x125xi32, #tpu.memory_space<vmem>> -> memref<1x125xi32, #tpu.memory_space<vmem>>
      %dma_wait3A_73 = tpu.memref_squeeze %dma_wait3A_72 : memref<1x125xi32, #tpu.memory_space<vmem>> -> memref<125xi32, #tpu.memory_space<vmem>>
      %dma_wait3A_74 = arith.constant 0 : i32
      %dma_wait3A_75 = arith.constant 0 : i32
      %dma_wait3A_76 = tpu.memref_slice %arg2[%dma_wait3A_74, %dma_wait3A_75] : memref<10000x128xf32, #tpu.memory_space<hbm>> -> memref<10000x128xf32, #tpu.memory_space<hbm>>
      tpu.wait_indirect_dma semaphore(%arg13 : memref<!tpu.dma_semaphore, #tpu.memory_space<semaphore_mem>>) src(%dma_wait3A_76 : memref<10000x128xf32, #tpu.memory_space<hbm>>) dst(%arg10 : memref<125x128xf32, #tpu.memory_space<vmem>>)
      "tpu.region"() ({
        %run_scoped3A = tpu.sem_alloc : memref<!tpu.dma_semaphore, #tpu.memory_space<semaphore_mem>>
        %dma_start3A_77 = arith.constant 0 : i32
        %dma_start3A_78 = tpu.memref_slice %arg8[%add3A_49, %dma_start3A_77] : memref<40x125xi32, #tpu.memory_space<vmem>> -> memref<1x125xi32, #tpu.memory_space<vmem>>
        %dma_start3A_79 = tpu.memref_squeeze %dma_start3A_78 : memref<1x125xi32, #tpu.memory_space<vmem>> -> memref<125xi32, #tpu.memory_space<vmem>>
        %dma_start3A_80 = arith.constant 0 : i32
        %dma_start3A_81 = arith.constant 0 : i32
        %dma_start3A_82 = tpu.memref_slice %arg11[%dma_start3A_80, %dma_start3A_81] : memref<10240x128xf32, #tpu.memory_space<vmem_shared>> -> memref<10240x128xf32, #tpu.memory_space<vmem_shared>>
        tpu.enqueue_indirect_dma source(%arg10 : memref<125x128xf32, #tpu.memory_space<vmem>>) target(%dma_start3A_82 : memref<10240x128xf32, #tpu.memory_space<vmem_shared>>) offsets(%dma_start3A_79 : memref<125xi32, #tpu.memory_space<vmem>>) semaphore(%run_scoped3A : memref<!tpu.dma_semaphore, #tpu.memory_space<semaphore_mem>>) {add = true}
        %dma_wait3A_83 = arith.constant 0 : i32
        %dma_wait3A_84 = tpu.memref_slice %arg8[%add3A_49, %dma_wait3A_83] : memref<40x125xi32, #tpu.memory_space<vmem>> -> memref<1x125xi32, #tpu.memory_space<vmem>>
        %dma_wait3A_85 = tpu.memref_squeeze %dma_wait3A_84 : memref<1x125xi32, #tpu.memory_space<vmem>> -> memref<125xi32, #tpu.memory_space<vmem>>
        %dma_wait3A_86 = arith.constant 0 : i32
        %dma_wait3A_87 = arith.constant 0 : i32
        %dma_wait3A_88 = tpu.memref_slice %arg11[%dma_wait3A_86, %dma_wait3A_87] : memref<10240x128xf32, #tpu.memory_space<vmem_shared>> -> memref<10240x128xf32, #tpu.memory_space<vmem_shared>>
        tpu.wait_indirect_dma semaphore(%run_scoped3A : memref<!tpu.dma_semaphore, #tpu.memory_space<semaphore_mem>>) src(%arg10 : memref<125x128xf32, #tpu.memory_space<vmem>>) dst(%dma_wait3A_88 : memref<10240x128xf32, #tpu.memory_space<vmem_shared>>)
        tpu.yield
      }) : () -> ()
    }
    %scan3A_13 = arith.constant 20 : i32
    %dma_wait3A = arith.constant 39 : i32
    %dma_wait3A_14 = arith.constant 0 : i32
    %dma_wait3A_15 = tpu.memref_slice %arg7[%dma_wait3A, %dma_wait3A_14] : memref<40x125xi32, #tpu.memory_space<vmem>> -> memref<1x125xi32, #tpu.memory_space<vmem>>
    %dma_wait3A_16 = tpu.memref_squeeze %dma_wait3A_15 : memref<1x125xi32, #tpu.memory_space<vmem>> -> memref<125xi32, #tpu.memory_space<vmem>>
    %dma_wait3A_17 = arith.constant 0 : i32
    %dma_wait3A_18 = arith.constant 0 : i32
    %dma_wait3A_19 = tpu.memref_slice %arg2[%dma_wait3A_17, %dma_wait3A_18] : memref<10000x128xf32, #tpu.memory_space<hbm>> -> memref<10000x128xf32, #tpu.memory_space<hbm>>
    tpu.wait_indirect_dma semaphore(%arg12 : memref<!tpu.dma_semaphore, #tpu.memory_space<semaphore_mem>>) src(%dma_wait3A_19 : memref<10000x128xf32, #tpu.memory_space<hbm>>) dst(%arg9 : memref<125x128xf32, #tpu.memory_space<vmem>>)
    "tpu.region"() ({
      %run_scoped3A = tpu.sem_alloc : memref<!tpu.dma_semaphore, #tpu.memory_space<semaphore_mem>>
      %dma_start3A_45 = arith.constant 40 : i32
      %dma_start3A_46 = arith.constant 0 : i32
      %dma_start3A_47 = tpu.memref_slice %arg3[%add3A, %dma_start3A_45, %dma_start3A_46] : memref<32x80x125xi32, #tpu.memory_space<hbm>> -> memref<1x40x125xi32, #tpu.memory_space<hbm>>
      %dma_start3A_48 = tpu.memref_squeeze %dma_start3A_47 : memref<1x40x125xi32, #tpu.memory_space<hbm>> -> memref<40x125xi32, #tpu.memory_space<hbm>>
      %dma_start3A_49 = arith.constant 40 : i32
      %dma_start3A_50 = arith.constant 0 : i32
      %dma_start3A_51 = tpu.memref_slice %arg3[%add3A, %dma_start3A_49, %dma_start3A_50] : memref<32x80x125xi32, #tpu.memory_space<hbm>> -> memref<1x40x125xi32, #tpu.memory_space<hbm>>
      %dma_start3A_52 = tpu.memref_squeeze %dma_start3A_51 : memref<1x40x125xi32, #tpu.memory_space<hbm>> -> memref<40x125xi32, #tpu.memory_space<hbm>>
      tpu.enqueue_dma source(%dma_start3A_52 : memref<40x125xi32, #tpu.memory_space<hbm>>) target(%arg7 : memref<40x125xi32, #tpu.memory_space<vmem>>) target_semaphore(%run_scoped3A : memref<!tpu.dma_semaphore, #tpu.memory_space<semaphore_mem>>)
      %dma_wait3A_53 = arith.constant 40 : i32
      %dma_wait3A_54 = arith.constant 0 : i32
      %dma_wait3A_55 = tpu.memref_slice %arg3[%add3A, %dma_wait3A_53, %dma_wait3A_54] : memref<32x80x125xi32, #tpu.memory_space<hbm>> -> memref<1x40x125xi32, #tpu.memory_space<hbm>>
      %dma_wait3A_56 = tpu.memref_squeeze %dma_wait3A_55 : memref<1x40x125xi32, #tpu.memory_space<hbm>> -> memref<40x125xi32, #tpu.memory_space<hbm>>
      %dma_wait3A_57 = arith.constant 40 : i32
      %dma_wait3A_58 = arith.constant 0 : i32
      %dma_wait3A_59 = tpu.memref_slice %arg3[%add3A, %dma_wait3A_57, %dma_wait3A_58] : memref<32x80x125xi32, #tpu.memory_space<hbm>> -> memref<1x40x125xi32, #tpu.memory_space<hbm>>
      %dma_wait3A_60 = tpu.memref_squeeze %dma_wait3A_59 : memref<1x40x125xi32, #tpu.memory_space<hbm>> -> memref<40x125xi32, #tpu.memory_space<hbm>>
      tpu.wait_dma2 semaphore(%run_scoped3A : memref<!tpu.dma_semaphore, #tpu.memory_space<semaphore_mem>>) src(%dma_wait3A_60 : memref<40x125xi32, #tpu.memory_space<hbm>>) dst(%arg7 : memref<40x125xi32, #tpu.memory_space<vmem>>)
      tpu.yield
    }) : () -> ()
    "tpu.region"() ({
      %run_scoped3A = tpu.sem_alloc : memref<!tpu.dma_semaphore, #tpu.memory_space<semaphore_mem>>
      %dma_start3A_45 = arith.constant 40 : i32
      %dma_start3A_46 = arith.constant 0 : i32
      %dma_start3A_47 = tpu.memref_slice %arg4[%add3A, %dma_start3A_45, %dma_start3A_46] : memref<32x80x125xi32, #tpu.memory_space<hbm>> -> memref<1x40x125xi32, #tpu.memory_space<hbm>>
      %dma_start3A_48 = tpu.memref_squeeze %dma_start3A_47 : memref<1x40x125xi32, #tpu.memory_space<hbm>> -> memref<40x125xi32, #tpu.memory_space<hbm>>
      %dma_start3A_49 = arith.constant 40 : i32
      %dma_start3A_50 = arith.constant 0 : i32
      %dma_start3A_51 = tpu.memref_slice %arg4[%add3A, %dma_start3A_49, %dma_start3A_50] : memref<32x80x125xi32, #tpu.memory_space<hbm>> -> memref<1x40x125xi32, #tpu.memory_space<hbm>>
      %dma_start3A_52 = tpu.memref_squeeze %dma_start3A_51 : memref<1x40x125xi32, #tpu.memory_space<hbm>> -> memref<40x125xi32, #tpu.memory_space<hbm>>
      tpu.enqueue_dma source(%dma_start3A_52 : memref<40x125xi32, #tpu.memory_space<hbm>>) target(%arg8 : memref<40x125xi32, #tpu.memory_space<vmem>>) target_semaphore(%run_scoped3A : memref<!tpu.dma_semaphore, #tpu.memory_space<semaphore_mem>>)
      %dma_wait3A_53 = arith.constant 40 : i32
      %dma_wait3A_54 = arith.constant 0 : i32
      %dma_wait3A_55 = tpu.memref_slice %arg4[%add3A, %dma_wait3A_53, %dma_wait3A_54] : memref<32x80x125xi32, #tpu.memory_space<hbm>> -> memref<1x40x125xi32, #tpu.memory_space<hbm>>
      %dma_wait3A_56 = tpu.memref_squeeze %dma_wait3A_55 : memref<1x40x125xi32, #tpu.memory_space<hbm>> -> memref<40x125xi32, #tpu.memory_space<hbm>>
      %dma_wait3A_57 = arith.constant 40 : i32
      %dma_wait3A_58 = arith.constant 0 : i32
      %dma_wait3A_59 = tpu.memref_slice %arg4[%add3A, %dma_wait3A_57, %dma_wait3A_58] : memref<32x80x125xi32, #tpu.memory_space<hbm>> -> memref<1x40x125xi32, #tpu.memory_space<hbm>>
      %dma_wait3A_60 = tpu.memref_squeeze %dma_wait3A_59 : memref<1x40x125xi32, #tpu.memory_space<hbm>> -> memref<40x125xi32, #tpu.memory_space<hbm>>
      tpu.wait_dma2 semaphore(%run_scoped3A : memref<!tpu.dma_semaphore, #tpu.memory_space<semaphore_mem>>) src(%dma_wait3A_60 : memref<40x125xi32, #tpu.memory_space<hbm>>) dst(%arg8 : memref<40x125xi32, #tpu.memory_space<vmem>>)
      tpu.yield
    }) : () -> ()
    %dma_start3A_20 = arith.constant 0 : i32
    %dma_start3A_21 = arith.constant 0 : i32
    %dma_start3A_22 = tpu.memref_slice %arg7[%dma_start3A_20, %dma_start3A_21] : memref<40x125xi32, #tpu.memory_space<vmem>> -> memref<1x125xi32, #tpu.memory_space<vmem>>
    %dma_start3A_23 = tpu.memref_squeeze %dma_start3A_22 : memref<1x125xi32, #tpu.memory_space<vmem>> -> memref<125xi32, #tpu.memory_space<vmem>>
    %dma_start3A_24 = arith.constant 0 : i32
    %dma_start3A_25 = arith.constant 0 : i32
    %dma_start3A_26 = tpu.memref_slice %arg2[%dma_start3A_24, %dma_start3A_25] : memref<10000x128xf32, #tpu.memory_space<hbm>> -> memref<10000x128xf32, #tpu.memory_space<hbm>>
    tpu.enqueue_indirect_dma source(%dma_start3A_26 : memref<10000x128xf32, #tpu.memory_space<hbm>>) target(%arg9 : memref<125x128xf32, #tpu.memory_space<vmem>>) offsets(%dma_start3A_23 : memref<125xi32, #tpu.memory_space<vmem>>) semaphore(%arg12 : memref<!tpu.dma_semaphore, #tpu.memory_space<semaphore_mem>>)
    %scan3A_27 = arith.constant 0 : i32
    %scan3A_28 = arith.constant 0 : i32
    %scan3A_29 = arith.constant 20 : i32
    %scan3A_30 = arith.addi %scan3A_28, %scan3A_29 : i32
    %scan3A_31 = arith.constant 1 : i32
    scf.for %scan3A_45 = %scan3A_28 to %scan3A_30 step %scan3A_31  : i32 {
      %mul3A_46 = arith.constant 2 : i32
      %mul3A_47 = arith.muli %mul3A_46, %scan3A_45 : i32
      %add3A_48 = arith.constant 1 : i32
      %add3A_49 = arith.addi %mul3A_47, %add3A_48 : i32
      %add3A_50 = arith.constant 2 : i32
      %add3A_51 = arith.addi %mul3A_47, %add3A_50 : i32
      %min3A = arith.constant 39 : i32
      %min3A_52 = arith.minsi %add3A_51, %min3A : i32
      %dma_start3A_53 = arith.constant 0 : i32
      %dma_start3A_54 = tpu.memref_slice %arg7[%add3A_49, %dma_start3A_53] : memref<40x125xi32, #tpu.memory_space<vmem>> -> memref<1x125xi32, #tpu.memory_space<vmem>>
      %dma_start3A_55 = tpu.memref_squeeze %dma_start3A_54 : memref<1x125xi32, #tpu.memory_space<vmem>> -> memref<125xi32, #tpu.memory_space<vmem>>
      %dma_start3A_56 = arith.constant 0 : i32
      %dma_start3A_57 = arith.constant 0 : i32
      %dma_start3A_58 = tpu.memref_slice %arg2[%dma_start3A_56, %dma_start3A_57] : memref<10000x128xf32, #tpu.memory_space<hbm>> -> memref<10000x128xf32, #tpu.memory_space<hbm>>
      tpu.enqueue_indirect_dma source(%dma_start3A_58 : memref<10000x128xf32, #tpu.memory_space<hbm>>) target(%arg10 : memref<125x128xf32, #tpu.memory_space<vmem>>) offsets(%dma_start3A_55 : memref<125xi32, #tpu.memory_space<vmem>>) semaphore(%arg13 : memref<!tpu.dma_semaphore, #tpu.memory_space<semaphore_mem>>)
      %dma_wait3A_59 = arith.constant 0 : i32
      %dma_wait3A_60 = tpu.memref_slice %arg7[%mul3A_47, %dma_wait3A_59] : memref<40x125xi32, #tpu.memory_space<vmem>> -> memref<1x125xi32, #tpu.memory_space<vmem>>
      %dma_wait3A_61 = tpu.memref_squeeze %dma_wait3A_60 : memref<1x125xi32, #tpu.memory_space<vmem>> -> memref<125xi32, #tpu.memory_space<vmem>>
      %dma_wait3A_62 = arith.constant 0 : i32
      %dma_wait3A_63 = arith.constant 0 : i32
      %dma_wait3A_64 = tpu.memref_slice %arg2[%dma_wait3A_62, %dma_wait3A_63] : memref<10000x128xf32, #tpu.memory_space<hbm>> -> memref<10000x128xf32, #tpu.memory_space<hbm>>
      tpu.wait_indirect_dma semaphore(%arg12 : memref<!tpu.dma_semaphore, #tpu.memory_space<semaphore_mem>>) src(%dma_wait3A_64 : memref<10000x128xf32, #tpu.memory_space<hbm>>) dst(%arg9 : memref<125x128xf32, #tpu.memory_space<vmem>>)
      "tpu.region"() ({
        %run_scoped3A = tpu.sem_alloc : memref<!tpu.dma_semaphore, #tpu.memory_space<semaphore_mem>>
        %dma_start3A_77 = arith.constant 0 : i32
        %dma_start3A_78 = tpu.memref_slice %arg8[%mul3A_47, %dma_start3A_77] : memref<40x125xi32, #tpu.memory_space<vmem>> -> memref<1x125xi32, #tpu.memory_space<vmem>>
        %dma_start3A_79 = tpu.memref_squeeze %dma_start3A_78 : memref<1x125xi32, #tpu.memory_space<vmem>> -> memref<125xi32, #tpu.memory_space<vmem>>
        %dma_start3A_80 = arith.constant 0 : i32
        %dma_start3A_81 = arith.constant 0 : i32
        %dma_start3A_82 = tpu.memref_slice %arg11[%dma_start3A_80, %dma_start3A_81] : memref<10240x128xf32, #tpu.memory_space<vmem_shared>> -> memref<10240x128xf32, #tpu.memory_space<vmem_shared>>
        tpu.enqueue_indirect_dma source(%arg9 : memref<125x128xf32, #tpu.memory_space<vmem>>) target(%dma_start3A_82 : memref<10240x128xf32, #tpu.memory_space<vmem_shared>>) offsets(%dma_start3A_79 : memref<125xi32, #tpu.memory_space<vmem>>) semaphore(%run_scoped3A : memref<!tpu.dma_semaphore, #tpu.memory_space<semaphore_mem>>) {add = true}
        %dma_wait3A_83 = arith.constant 0 : i32
        %dma_wait3A_84 = tpu.memref_slice %arg8[%mul3A_47, %dma_wait3A_83] : memref<40x125xi32, #tpu.memory_space<vmem>> -> memref<1x125xi32, #tpu.memory_space<vmem>>
        %dma_wait3A_85 = tpu.memref_squeeze %dma_wait3A_84 : memref<1x125xi32, #tpu.memory_space<vmem>> -> memref<125xi32, #tpu.memory_space<vmem>>
        %dma_wait3A_86 = arith.constant 0 : i32
        %dma_wait3A_87 = arith.constant 0 : i32
        %dma_wait3A_88 = tpu.memref_slice %arg11[%dma_wait3A_86, %dma_wait3A_87] : memref<10240x128xf32, #tpu.memory_space<vmem_shared>> -> memref<10240x128xf32, #tpu.memory_space<vmem_shared>>
        tpu.wait_indirect_dma semaphore(%run_scoped3A : memref<!tpu.dma_semaphore, #tpu.memory_space<semaphore_mem>>) src(%arg9 : memref<125x128xf32, #tpu.memory_space<vmem>>) dst(%dma_wait3A_88 : memref<10240x128xf32, #tpu.memory_space<vmem_shared>>)
        tpu.yield
      }) : () -> ()
      %dma_start3A_65 = arith.constant 0 : i32
      %dma_start3A_66 = tpu.memref_slice %arg7[%min3A_52, %dma_start3A_65] : memref<40x125xi32, #tpu.memory_space<vmem>> -> memref<1x125xi32, #tpu.memory_space<vmem>>
      %dma_start3A_67 = tpu.memref_squeeze %dma_start3A_66 : memref<1x125xi32, #tpu.memory_space<vmem>> -> memref<125xi32, #tpu.memory_space<vmem>>
      %dma_start3A_68 = arith.constant 0 : i32
      %dma_start3A_69 = arith.constant 0 : i32
      %dma_start3A_70 = tpu.memref_slice %arg2[%dma_start3A_68, %dma_start3A_69] : memref<10000x128xf32, #tpu.memory_space<hbm>> -> memref<10000x128xf32, #tpu.memory_space<hbm>>
      tpu.enqueue_indirect_dma source(%dma_start3A_70 : memref<10000x128xf32, #tpu.memory_space<hbm>>) target(%arg9 : memref<125x128xf32, #tpu.memory_space<vmem>>) offsets(%dma_start3A_67 : memref<125xi32, #tpu.memory_space<vmem>>) semaphore(%arg12 : memref<!tpu.dma_semaphore, #tpu.memory_space<semaphore_mem>>)
      %dma_wait3A_71 = arith.constant 0 : i32
      %dma_wait3A_72 = tpu.memref_slice %arg7[%add3A_49, %dma_wait3A_71] : memref<40x125xi32, #tpu.memory_space<vmem>> -> memref<1x125xi32, #tpu.memory_space<vmem>>
      %dma_wait3A_73 = tpu.memref_squeeze %dma_wait3A_72 : memref<1x125xi32, #tpu.memory_space<vmem>> -> memref<125xi32, #tpu.memory_space<vmem>>
      %dma_wait3A_74 = arith.constant 0 : i32
      %dma_wait3A_75 = arith.constant 0 : i32
      %dma_wait3A_76 = tpu.memref_slice %arg2[%dma_wait3A_74, %dma_wait3A_75] : memref<10000x128xf32, #tpu.memory_space<hbm>> -> memref<10000x128xf32, #tpu.memory_space<hbm>>
      tpu.wait_indirect_dma semaphore(%arg13 : memref<!tpu.dma_semaphore, #tpu.memory_space<semaphore_mem>>) src(%dma_wait3A_76 : memref<10000x128xf32, #tpu.memory_space<hbm>>) dst(%arg10 : memref<125x128xf32, #tpu.memory_space<vmem>>)
      "tpu.region"() ({
        %run_scoped3A = tpu.sem_alloc : memref<!tpu.dma_semaphore, #tpu.memory_space<semaphore_mem>>
        %dma_start3A_77 = arith.constant 0 : i32
        %dma_start3A_78 = tpu.memref_slice %arg8[%add3A_49, %dma_start3A_77] : memref<40x125xi32, #tpu.memory_space<vmem>> -> memref<1x125xi32, #tpu.memory_space<vmem>>
        %dma_start3A_79 = tpu.memref_squeeze %dma_start3A_78 : memref<1x125xi32, #tpu.memory_space<vmem>> -> memref<125xi32, #tpu.memory_space<vmem>>
        %dma_start3A_80 = arith.constant 0 : i32
        %dma_start3A_81 = arith.constant 0 : i32
        %dma_start3A_82 = tpu.memref_slice %arg11[%dma_start3A_80, %dma_start3A_81] : memref<10240x128xf32, #tpu.memory_space<vmem_shared>> -> memref<10240x128xf32, #tpu.memory_space<vmem_shared>>
        tpu.enqueue_indirect_dma source(%arg10 : memref<125x128xf32, #tpu.memory_space<vmem>>) target(%dma_start3A_82 : memref<10240x128xf32, #tpu.memory_space<vmem_shared>>) offsets(%dma_start3A_79 : memref<125xi32, #tpu.memory_space<vmem>>) semaphore(%run_scoped3A : memref<!tpu.dma_semaphore, #tpu.memory_space<semaphore_mem>>) {add = true}
        %dma_wait3A_83 = arith.constant 0 : i32
        %dma_wait3A_84 = tpu.memref_slice %arg8[%add3A_49, %dma_wait3A_83] : memref<40x125xi32, #tpu.memory_space<vmem>> -> memref<1x125xi32, #tpu.memory_space<vmem>>
        %dma_wait3A_85 = tpu.memref_squeeze %dma_wait3A_84 : memref<1x125xi32, #tpu.memory_space<vmem>> -> memref<125xi32, #tpu.memory_space<vmem>>
        %dma_wait3A_86 = arith.constant 0 : i32
        %dma_wait3A_87 = arith.constant 0 : i32
        %dma_wait3A_88 = tpu.memref_slice %arg11[%dma_wait3A_86, %dma_wait3A_87] : memref<10240x128xf32, #tpu.memory_space<vmem_shared>> -> memref<10240x128xf32, #tpu.memory_space<vmem_shared>>
        tpu.wait_indirect_dma semaphore(%run_scoped3A : memref<!tpu.dma_semaphore, #tpu.memory_space<semaphore_mem>>) src(%arg10 : memref<125x128xf32, #tpu.memory_space<vmem>>) dst(%dma_wait3A_88 : memref<10240x128xf32, #tpu.memory_space<vmem_shared>>)
        tpu.yield
      }) : () -> ()
    }
    %scan3A_32 = arith.constant 20 : i32
    %dma_wait3A_33 = arith.constant 39 : i32
    %dma_wait3A_34 = arith.constant 0 : i32
    %dma_wait3A_35 = tpu.memref_slice %arg7[%dma_wait3A_33, %dma_wait3A_34] : memref<40x125xi32, #tpu.memory_space<vmem>> -> memref<1x125xi32, #tpu.memory_space<vmem>>
    %dma_wait3A_36 = tpu.memref_squeeze %dma_wait3A_35 : memref<1x125xi32, #tpu.memory_space<vmem>> -> memref<125xi32, #tpu.memory_space<vmem>>
    %dma_wait3A_37 = arith.constant 0 : i32
    %dma_wait3A_38 = arith.constant 0 : i32
    %dma_wait3A_39 = tpu.memref_slice %arg2[%dma_wait3A_37, %dma_wait3A_38] : memref<10000x128xf32, #tpu.memory_space<hbm>> -> memref<10000x128xf32, #tpu.memory_space<hbm>>
    tpu.wait_indirect_dma semaphore(%arg12 : memref<!tpu.dma_semaphore, #tpu.memory_space<semaphore_mem>>) src(%dma_wait3A_39 : memref<10000x128xf32, #tpu.memory_space<hbm>>) dst(%arg9 : memref<125x128xf32, #tpu.memory_space<vmem>>)
    %barrier3A_40 = arith.constant 0 : index
    tpu.barrier barrier_id(%barrier3A_40)
    %mul3A_41 = arith.constant 640 : i32
    %mul3A_42 = arith.muli %arg1, %mul3A_41 : i32
    %mul3A_43 = arith.constant 640 : i32
    %mul3A_44 = arith.muli %arg1, %mul3A_43 : i32
    "tpu.region"() ({
      %run_scoped3A = tpu.sem_alloc : memref<!tpu.dma_semaphore, #tpu.memory_space<semaphore_mem>>
      %dma_start3A_45 = arith.constant 0 : i32
      %dma_start3A_46 = tpu.memref_slice %arg6[%arg0, %mul3A_44, %dma_start3A_45] : memref<2x10240x128xf32, #tpu.memory_space<hbm>> -> memref<1x640x128xf32, #tpu.memory_space<hbm>>
      %dma_start3A_47 = tpu.memref_squeeze %dma_start3A_46 : memref<1x640x128xf32, #tpu.memory_space<hbm>> -> memref<640x128xf32, #tpu.memory_space<hbm>>
      %dma_start3A_48 = arith.constant 0 : i32
      %dma_start3A_49 = tpu.memref_slice %arg11[%mul3A_42, %dma_start3A_48] : memref<10240x128xf32, #tpu.memory_space<vmem_shared>> -> memref<640x128xf32, #tpu.memory_space<vmem_shared>>
      tpu.enqueue_dma source(%dma_start3A_49 : memref<640x128xf32, #tpu.memory_space<vmem_shared>>) target(%dma_start3A_47 : memref<640x128xf32, #tpu.memory_space<hbm>>) target_semaphore(%run_scoped3A : memref<!tpu.dma_semaphore, #tpu.memory_space<semaphore_mem>>)
      %dma_wait3A_50 = arith.constant 0 : i32
      %dma_wait3A_51 = tpu.memref_slice %arg6[%arg0, %mul3A_44, %dma_wait3A_50] : memref<2x10240x128xf32, #tpu.memory_space<hbm>> -> memref<1x640x128xf32, #tpu.memory_space<hbm>>
      %dma_wait3A_52 = tpu.memref_squeeze %dma_wait3A_51 : memref<1x640x128xf32, #tpu.memory_space<hbm>> -> memref<640x128xf32, #tpu.memory_space<hbm>>
      %dma_wait3A_53 = arith.constant 0 : i32
      %dma_wait3A_54 = tpu.memref_slice %arg11[%mul3A_42, %dma_wait3A_53] : memref<10240x128xf32, #tpu.memory_space<vmem_shared>> -> memref<640x128xf32, #tpu.memory_space<vmem_shared>>
      tpu.wait_dma2 semaphore(%run_scoped3A : memref<!tpu.dma_semaphore, #tpu.memory_space<semaphore_mem>>) src(%dma_wait3A_54 : memref<640x128xf32, #tpu.memory_space<vmem_shared>>) dst(%dma_wait3A_52 : memref<640x128xf32, #tpu.memory_space<hbm>>)
      tpu.yield
    }) : () -> ()
    return
  }
}

#map = affine_map<(d0, d1) -> (0, 0)>
#map1 = affine_map<(d0, d1) -> (0, 0, 0)>
module attributes {stable_mosaic.version = 14 : i64} {
  func.func @agg_kernel(%arg0: i32, %arg1: i32, %arg2: memref<10000x128xf32, #tpu.memory_space<hbm>>, %arg3: memref<32x80x125xi32, #tpu.memory_space<hbm>>, %arg4: memref<32x80x125xi32, #tpu.memory_space<hbm>>, %arg5: memref<640x128xf32, #tpu.memory_space<hbm>>, %arg6: memref<2x10240x128xf32, #tpu.memory_space<hbm>>, %arg7: memref<40x125xi32, #tpu.memory_space<vmem>>, %arg8: memref<40x125xi32, #tpu.memory_space<vmem>>, %arg9: memref<125x128xf32, #tpu.memory_space<vmem>>, %arg10: memref<125x128xf32, #tpu.memory_space<vmem>>, %arg11: memref<10240x128xf32, #tpu.memory_space<vmem_shared>>, %arg12: memref<!tpu.dma_semaphore, #tpu.memory_space<semaphore_mem>>, %arg13: memref<!tpu.dma_semaphore, #tpu.memory_space<semaphore_mem>>) attributes {dimension_semantics = [#tpu.dimension_semantics<core_parallel>, #tpu.dimension_semantics<subcore_parallel>], iteration_bounds = array<i64: 2, 16>, scalar_prefetch = 0 : i64, scratch_operands = 7 : i64, tpu.core_type = #tpu.core_type<sc_vector_subcore>, window_params = [{transform_indices = #map}, {transform_indices = #map1}, {transform_indices = #map1}, {transform_indices = #map}, {transform_indices = #map1}]} {
    %mul3A = arith.constant 16 : i32
    %mul3A_0 = arith.muli %arg0, %mul3A : i32
    %add3A = arith.addi %mul3A_0, %arg1 : i32
    %mul3A_1 = arith.constant 640 : i32
    %mul3A_2 = arith.muli %arg1, %mul3A_1 : i32
    "tpu.region"() ({
      %run_scoped3A = tpu.sem_alloc : memref<!tpu.dma_semaphore, #tpu.memory_space<semaphore_mem>>
      %dma_start3A_45 = arith.constant 0 : i32
      %dma_start3A_46 = tpu.memref_slice %arg11[%mul3A_2, %dma_start3A_45] : memref<10240x128xf32, #tpu.memory_space<vmem_shared>> -> memref<640x128xf32, #tpu.memory_space<vmem_shared>>
      tpu.enqueue_dma source(%arg5 : memref<640x128xf32, #tpu.memory_space<hbm>>) target(%dma_start3A_46 : memref<640x128xf32, #tpu.memory_space<vmem_shared>>) target_semaphore(%run_scoped3A : memref<!tpu.dma_semaphore, #tpu.memory_space<semaphore_mem>>)
      %dma_wait3A_47 = arith.constant 0 : i32
      %dma_wait3A_48 = tpu.memref_slice %arg11[%mul3A_2, %dma_wait3A_47] : memref<10240x128xf32, #tpu.memory_space<vmem_shared>> -> memref<640x128xf32, #tpu.memory_space<vmem_shared>>
      tpu.wait_dma2 semaphore(%run_scoped3A : memref<!tpu.dma_semaphore, #tpu.memory_space<semaphore_mem>>) src(%arg5 : memref<640x128xf32, #tpu.memory_space<hbm>>) dst(%dma_wait3A_48 : memref<640x128xf32, #tpu.memory_space<vmem_shared>>)
      tpu.yield
    }) : () -> ()
    %barrier3A = arith.constant 0 : index
    tpu.barrier barrier_id(%barrier3A)
    "tpu.region"() ({
      %run_scoped3A = tpu.sem_alloc : memref<!tpu.dma_semaphore, #tpu.memory_space<semaphore_mem>>
      %dma_start3A_45 = arith.constant 0 : i32
      %dma_start3A_46 = arith.constant 0 : i32
      %dma_start3A_47 = tpu.memref_slice %arg3[%add3A, %dma_start3A_45, %dma_start3A_46] : memref<32x80x125xi32, #tpu.memory_space<hbm>> -> memref<1x40x125xi32, #tpu.memory_space<hbm>>
      %dma_start3A_48 = tpu.memref_squeeze %dma_start3A_47 : memref<1x40x125xi32, #tpu.memory_space<hbm>> -> memref<40x125xi32, #tpu.memory_space<hbm>>
      %dma_start3A_49 = arith.constant 0 : i32
      %dma_start3A_50 = arith.constant 0 : i32
      %dma_start3A_51 = tpu.memref_slice %arg3[%add3A, %dma_start3A_49, %dma_start3A_50] : memref<32x80x125xi32, #tpu.memory_space<hbm>> -> memref<1x40x125xi32, #tpu.memory_space<hbm>>
      %dma_start3A_52 = tpu.memref_squeeze %dma_start3A_51 : memref<1x40x125xi32, #tpu.memory_space<hbm>> -> memref<40x125xi32, #tpu.memory_space<hbm>>
      tpu.enqueue_dma source(%dma_start3A_52 : memref<40x125xi32, #tpu.memory_space<hbm>>) target(%arg7 : memref<40x125xi32, #tpu.memory_space<vmem>>) target_semaphore(%run_scoped3A : memref<!tpu.dma_semaphore, #tpu.memory_space<semaphore_mem>>)
      %dma_wait3A_53 = arith.constant 0 : i32
      %dma_wait3A_54 = arith.constant 0 : i32
      %dma_wait3A_55 = tpu.memref_slice %arg3[%add3A, %dma_wait3A_53, %dma_wait3A_54] : memref<32x80x125xi32, #tpu.memory_space<hbm>> -> memref<1x40x125xi32, #tpu.memory_space<hbm>>
      %dma_wait3A_56 = tpu.memref_squeeze %dma_wait3A_55 : memref<1x40x125xi32, #tpu.memory_space<hbm>> -> memref<40x125xi32, #tpu.memory_space<hbm>>
      %dma_wait3A_57 = arith.constant 0 : i32
      %dma_wait3A_58 = arith.constant 0 : i32
      %dma_wait3A_59 = tpu.memref_slice %arg3[%add3A, %dma_wait3A_57, %dma_wait3A_58] : memref<32x80x125xi32, #tpu.memory_space<hbm>> -> memref<1x40x125xi32, #tpu.memory_space<hbm>>
      %dma_wait3A_60 = tpu.memref_squeeze %dma_wait3A_59 : memref<1x40x125xi32, #tpu.memory_space<hbm>> -> memref<40x125xi32, #tpu.memory_space<hbm>>
      tpu.wait_dma2 semaphore(%run_scoped3A : memref<!tpu.dma_semaphore, #tpu.memory_space<semaphore_mem>>) src(%dma_wait3A_60 : memref<40x125xi32, #tpu.memory_space<hbm>>) dst(%arg7 : memref<40x125xi32, #tpu.memory_space<vmem>>)
      tpu.yield
    }) : () -> ()
    "tpu.region"() ({
      %run_scoped3A = tpu.sem_alloc : memref<!tpu.dma_semaphore, #tpu.memory_space<semaphore_mem>>
      %dma_start3A_45 = arith.constant 0 : i32
      %dma_start3A_46 = arith.constant 0 : i32
      %dma_start3A_47 = tpu.memref_slice %arg4[%add3A, %dma_start3A_45, %dma_start3A_46] : memref<32x80x125xi32, #tpu.memory_space<hbm>> -> memref<1x40x125xi32, #tpu.memory_space<hbm>>
      %dma_start3A_48 = tpu.memref_squeeze %dma_start3A_47 : memref<1x40x125xi32, #tpu.memory_space<hbm>> -> memref<40x125xi32, #tpu.memory_space<hbm>>
      %dma_start3A_49 = arith.constant 0 : i32
      %dma_start3A_50 = arith.constant 0 : i32
      %dma_start3A_51 = tpu.memref_slice %arg4[%add3A, %dma_start3A_49, %dma_start3A_50] : memref<32x80x125xi32, #tpu.memory_space<hbm>> -> memref<1x40x125xi32, #tpu.memory_space<hbm>>
      %dma_start3A_52 = tpu.memref_squeeze %dma_start3A_51 : memref<1x40x125xi32, #tpu.memory_space<hbm>> -> memref<40x125xi32, #tpu.memory_space<hbm>>
      tpu.enqueue_dma source(%dma_start3A_52 : memref<40x125xi32, #tpu.memory_space<hbm>>) target(%arg8 : memref<40x125xi32, #tpu.memory_space<vmem>>) target_semaphore(%run_scoped3A : memref<!tpu.dma_semaphore, #tpu.memory_space<semaphore_mem>>)
      %dma_wait3A_53 = arith.constant 0 : i32
      %dma_wait3A_54 = arith.constant 0 : i32
      %dma_wait3A_55 = tpu.memref_slice %arg4[%add3A, %dma_wait3A_53, %dma_wait3A_54] : memref<32x80x125xi32, #tpu.memory_space<hbm>> -> memref<1x40x125xi32, #tpu.memory_space<hbm>>
      %dma_wait3A_56 = tpu.memref_squeeze %dma_wait3A_55 : memref<1x40x125xi32, #tpu.memory_space<hbm>> -> memref<40x125xi32, #tpu.memory_space<hbm>>
      %dma_wait3A_57 = arith.constant 0 : i32
      %dma_wait3A_58 = arith.constant 0 : i32
      %dma_wait3A_59 = tpu.memref_slice %arg4[%add3A, %dma_wait3A_57, %dma_wait3A_58] : memref<32x80x125xi32, #tpu.memory_space<hbm>> -> memref<1x40x125xi32, #tpu.memory_space<hbm>>
      %dma_wait3A_60 = tpu.memref_squeeze %dma_wait3A_59 : memref<1x40x125xi32, #tpu.memory_space<hbm>> -> memref<40x125xi32, #tpu.memory_space<hbm>>
      tpu.wait_dma2 semaphore(%run_scoped3A : memref<!tpu.dma_semaphore, #tpu.memory_space<semaphore_mem>>) src(%dma_wait3A_60 : memref<40x125xi32, #tpu.memory_space<hbm>>) dst(%arg8 : memref<40x125xi32, #tpu.memory_space<vmem>>)
      tpu.yield
    }) : () -> ()
    %dma_start3A = arith.constant 0 : i32
    %dma_start3A_3 = arith.constant 0 : i32
    %dma_start3A_4 = tpu.memref_slice %arg7[%dma_start3A, %dma_start3A_3] : memref<40x125xi32, #tpu.memory_space<vmem>> -> memref<1x125xi32, #tpu.memory_space<vmem>>
    %dma_start3A_5 = tpu.memref_squeeze %dma_start3A_4 : memref<1x125xi32, #tpu.memory_space<vmem>> -> memref<125xi32, #tpu.memory_space<vmem>>
    %dma_start3A_6 = arith.constant 0 : i32
    %dma_start3A_7 = arith.constant 0 : i32
    %dma_start3A_8 = tpu.memref_slice %arg2[%dma_start3A_6, %dma_start3A_7] : memref<10000x128xf32, #tpu.memory_space<hbm>> -> memref<10000x128xf32, #tpu.memory_space<hbm>>
    tpu.enqueue_indirect_dma source(%dma_start3A_8 : memref<10000x128xf32, #tpu.memory_space<hbm>>) target(%arg9 : memref<125x128xf32, #tpu.memory_space<vmem>>) offsets(%dma_start3A_5 : memref<125xi32, #tpu.memory_space<vmem>>) semaphore(%arg12 : memref<!tpu.dma_semaphore, #tpu.memory_space<semaphore_mem>>)
    %scan3A = arith.constant 0 : i32
    %scan3A_9 = arith.constant 0 : i32
    %scan3A_10 = arith.constant 20 : i32
    %scan3A_11 = arith.addi %scan3A_9, %scan3A_10 : i32
    %scan3A_12 = arith.constant 1 : i32
    scf.for %scan3A_45 = %scan3A_9 to %scan3A_11 step %scan3A_12  : i32 {
      %mul3A_46 = arith.constant 2 : i32
      %mul3A_47 = arith.muli %mul3A_46, %scan3A_45 : i32
      %add3A_48 = arith.constant 1 : i32
      %add3A_49 = arith.addi %mul3A_47, %add3A_48 : i32
      %add3A_50 = arith.constant 2 : i32
      %add3A_51 = arith.addi %mul3A_47, %add3A_50 : i32
      %min3A = arith.constant 39 : i32
      %min3A_52 = arith.minsi %add3A_51, %min3A : i32
      %dma_start3A_53 = arith.constant 0 : i32
      %dma_start3A_54 = tpu.memref_slice %arg7[%add3A_49, %dma_start3A_53] : memref<40x125xi32, #tpu.memory_space<vmem>> -> memref<1x125xi32, #tpu.memory_space<vmem>>
      %dma_start3A_55 = tpu.memref_squeeze %dma_start3A_54 : memref<1x125xi32, #tpu.memory_space<vmem>> -> memref<125xi32, #tpu.memory_space<vmem>>
      %dma_start3A_56 = arith.constant 0 : i32
      %dma_start3A_57 = arith.constant 0 : i32
      %dma_start3A_58 = tpu.memref_slice %arg2[%dma_start3A_56, %dma_start3A_57] : memref<10000x128xf32, #tpu.memory_space<hbm>> -> memref<10000x128xf32, #tpu.memory_space<hbm>>
      tpu.enqueue_indirect_dma source(%dma_start3A_58 : memref<10000x128xf32, #tpu.memory_space<hbm>>) target(%arg10 : memref<125x128xf32, #tpu.memory_space<vmem>>) offsets(%dma_start3A_55 : memref<125xi32, #tpu.memory_space<vmem>>) semaphore(%arg13 : memref<!tpu.dma_semaphore, #tpu.memory_space<semaphore_mem>>)
      %dma_wait3A_59 = arith.constant 0 : i32
      %dma_wait3A_60 = tpu.memref_slice %arg7[%mul3A_47, %dma_wait3A_59] : memref<40x125xi32, #tpu.memory_space<vmem>> -> memref<1x125xi32, #tpu.memory_space<vmem>>
      %dma_wait3A_61 = tpu.memref_squeeze %dma_wait3A_60 : memref<1x125xi32, #tpu.memory_space<vmem>> -> memref<125xi32, #tpu.memory_space<vmem>>
      %dma_wait3A_62 = arith.constant 0 : i32
      %dma_wait3A_63 = arith.constant 0 : i32
      %dma_wait3A_64 = tpu.memref_slice %arg2[%dma_wait3A_62, %dma_wait3A_63] : memref<10000x128xf32, #tpu.memory_space<hbm>> -> memref<10000x128xf32, #tpu.memory_space<hbm>>
      tpu.wait_indirect_dma semaphore(%arg12 : memref<!tpu.dma_semaphore, #tpu.memory_space<semaphore_mem>>) src(%dma_wait3A_64 : memref<10000x128xf32, #tpu.memory_space<hbm>>) dst(%arg9 : memref<125x128xf32, #tpu.memory_space<vmem>>)
      "tpu.region"() ({
        %run_scoped3A = tpu.sem_alloc : memref<!tpu.dma_semaphore, #tpu.memory_space<semaphore_mem>>
        %dma_start3A_77 = arith.constant 0 : i32
        %dma_start3A_78 = tpu.memref_slice %arg8[%mul3A_47, %dma_start3A_77] : memref<40x125xi32, #tpu.memory_space<vmem>> -> memref<1x125xi32, #tpu.memory_space<vmem>>
        %dma_start3A_79 = tpu.memref_squeeze %dma_start3A_78 : memref<1x125xi32, #tpu.memory_space<vmem>> -> memref<125xi32, #tpu.memory_space<vmem>>
        %dma_start3A_80 = arith.constant 0 : i32
        %dma_start3A_81 = arith.constant 0 : i32
        %dma_start3A_82 = tpu.memref_slice %arg11[%dma_start3A_80, %dma_start3A_81] : memref<10240x128xf32, #tpu.memory_space<vmem_shared>> -> memref<10240x128xf32, #tpu.memory_space<vmem_shared>>
        tpu.enqueue_indirect_dma source(%arg9 : memref<125x128xf32, #tpu.memory_space<vmem>>) target(%dma_start3A_82 : memref<10240x128xf32, #tpu.memory_space<vmem_shared>>) offsets(%dma_start3A_79 : memref<125xi32, #tpu.memory_space<vmem>>) semaphore(%run_scoped3A : memref<!tpu.dma_semaphore, #tpu.memory_space<semaphore_mem>>) {add = true}
        %dma_wait3A_83 = arith.constant 0 : i32
        %dma_wait3A_84 = tpu.memref_slice %arg8[%mul3A_47, %dma_wait3A_83] : memref<40x125xi32, #tpu.memory_space<vmem>> -> memref<1x125xi32, #tpu.memory_space<vmem>>
        %dma_wait3A_85 = tpu.memref_squeeze %dma_wait3A_84 : memref<1x125xi32, #tpu.memory_space<vmem>> -> memref<125xi32, #tpu.memory_space<vmem>>
        %dma_wait3A_86 = arith.constant 0 : i32
        %dma_wait3A_87 = arith.constant 0 : i32
        %dma_wait3A_88 = tpu.memref_slice %arg11[%dma_wait3A_86, %dma_wait3A_87] : memref<10240x128xf32, #tpu.memory_space<vmem_shared>> -> memref<10240x128xf32, #tpu.memory_space<vmem_shared>>
        tpu.wait_indirect_dma semaphore(%run_scoped3A : memref<!tpu.dma_semaphore, #tpu.memory_space<semaphore_mem>>) src(%arg9 : memref<125x128xf32, #tpu.memory_space<vmem>>) dst(%dma_wait3A_88 : memref<10240x128xf32, #tpu.memory_space<vmem_shared>>)
        tpu.yield
      }) : () -> ()
      %dma_start3A_65 = arith.constant 0 : i32
      %dma_start3A_66 = tpu.memref_slice %arg7[%min3A_52, %dma_start3A_65] : memref<40x125xi32, #tpu.memory_space<vmem>> -> memref<1x125xi32, #tpu.memory_space<vmem>>
      %dma_start3A_67 = tpu.memref_squeeze %dma_start3A_66 : memref<1x125xi32, #tpu.memory_space<vmem>> -> memref<125xi32, #tpu.memory_space<vmem>>
      %dma_start3A_68 = arith.constant 0 : i32
      %dma_start3A_69 = arith.constant 0 : i32
      %dma_start3A_70 = tpu.memref_slice %arg2[%dma_start3A_68, %dma_start3A_69] : memref<10000x128xf32, #tpu.memory_space<hbm>> -> memref<10000x128xf32, #tpu.memory_space<hbm>>
      tpu.enqueue_indirect_dma source(%dma_start3A_70 : memref<10000x128xf32, #tpu.memory_space<hbm>>) target(%arg9 : memref<125x128xf32, #tpu.memory_space<vmem>>) offsets(%dma_start3A_67 : memref<125xi32, #tpu.memory_space<vmem>>) semaphore(%arg12 : memref<!tpu.dma_semaphore, #tpu.memory_space<semaphore_mem>>)
      %dma_wait3A_71 = arith.constant 0 : i32
      %dma_wait3A_72 = tpu.memref_slice %arg7[%add3A_49, %dma_wait3A_71] : memref<40x125xi32, #tpu.memory_space<vmem>> -> memref<1x125xi32, #tpu.memory_space<vmem>>
      %dma_wait3A_73 = tpu.memref_squeeze %dma_wait3A_72 : memref<1x125xi32, #tpu.memory_space<vmem>> -> memref<125xi32, #tpu.memory_space<vmem>>
      %dma_wait3A_74 = arith.constant 0 : i32
      %dma_wait3A_75 = arith.constant 0 : i32
      %dma_wait3A_76 = tpu.memref_slice %arg2[%dma_wait3A_74, %dma_wait3A_75] : memref<10000x128xf32, #tpu.memory_space<hbm>> -> memref<10000x128xf32, #tpu.memory_space<hbm>>
      tpu.wait_indirect_dma semaphore(%arg13 : memref<!tpu.dma_semaphore, #tpu.memory_space<semaphore_mem>>) src(%dma_wait3A_76 : memref<10000x128xf32, #tpu.memory_space<hbm>>) dst(%arg10 : memref<125x128xf32, #tpu.memory_space<vmem>>)
      "tpu.region"() ({
        %run_scoped3A = tpu.sem_alloc : memref<!tpu.dma_semaphore, #tpu.memory_space<semaphore_mem>>
        %dma_start3A_77 = arith.constant 0 : i32
        %dma_start3A_78 = tpu.memref_slice %arg8[%add3A_49, %dma_start3A_77] : memref<40x125xi32, #tpu.memory_space<vmem>> -> memref<1x125xi32, #tpu.memory_space<vmem>>
        %dma_start3A_79 = tpu.memref_squeeze %dma_start3A_78 : memref<1x125xi32, #tpu.memory_space<vmem>> -> memref<125xi32, #tpu.memory_space<vmem>>
        %dma_start3A_80 = arith.constant 0 : i32
        %dma_start3A_81 = arith.constant 0 : i32
        %dma_start3A_82 = tpu.memref_slice %arg11[%dma_start3A_80, %dma_start3A_81] : memref<10240x128xf32, #tpu.memory_space<vmem_shared>> -> memref<10240x128xf32, #tpu.memory_space<vmem_shared>>
        tpu.enqueue_indirect_dma source(%arg10 : memref<125x128xf32, #tpu.memory_space<vmem>>) target(%dma_start3A_82 : memref<10240x128xf32, #tpu.memory_space<vmem_shared>>) offsets(%dma_start3A_79 : memref<125xi32, #tpu.memory_space<vmem>>) semaphore(%run_scoped3A : memref<!tpu.dma_semaphore, #tpu.memory_space<semaphore_mem>>) {add = true}
        %dma_wait3A_83 = arith.constant 0 : i32
        %dma_wait3A_84 = tpu.memref_slice %arg8[%add3A_49, %dma_wait3A_83] : memref<40x125xi32, #tpu.memory_space<vmem>> -> memref<1x125xi32, #tpu.memory_space<vmem>>
        %dma_wait3A_85 = tpu.memref_squeeze %dma_wait3A_84 : memref<1x125xi32, #tpu.memory_space<vmem>> -> memref<125xi32, #tpu.memory_space<vmem>>
        %dma_wait3A_86 = arith.constant 0 : i32
        %dma_wait3A_87 = arith.constant 0 : i32
        %dma_wait3A_88 = tpu.memref_slice %arg11[%dma_wait3A_86, %dma_wait3A_87] : memref<10240x128xf32, #tpu.memory_space<vmem_shared>> -> memref<10240x128xf32, #tpu.memory_space<vmem_shared>>
        tpu.wait_indirect_dma semaphore(%run_scoped3A : memref<!tpu.dma_semaphore, #tpu.memory_space<semaphore_mem>>) src(%arg10 : memref<125x128xf32, #tpu.memory_space<vmem>>) dst(%dma_wait3A_88 : memref<10240x128xf32, #tpu.memory_space<vmem_shared>>)
        tpu.yield
      }) : () -> ()
    }
    %scan3A_13 = arith.constant 20 : i32
    %dma_wait3A = arith.constant 39 : i32
    %dma_wait3A_14 = arith.constant 0 : i32
    %dma_wait3A_15 = tpu.memref_slice %arg7[%dma_wait3A, %dma_wait3A_14] : memref<40x125xi32, #tpu.memory_space<vmem>> -> memref<1x125xi32, #tpu.memory_space<vmem>>
    %dma_wait3A_16 = tpu.memref_squeeze %dma_wait3A_15 : memref<1x125xi32, #tpu.memory_space<vmem>> -> memref<125xi32, #tpu.memory_space<vmem>>
    %dma_wait3A_17 = arith.constant 0 : i32
    %dma_wait3A_18 = arith.constant 0 : i32
    %dma_wait3A_19 = tpu.memref_slice %arg2[%dma_wait3A_17, %dma_wait3A_18] : memref<10000x128xf32, #tpu.memory_space<hbm>> -> memref<10000x128xf32, #tpu.memory_space<hbm>>
    tpu.wait_indirect_dma semaphore(%arg12 : memref<!tpu.dma_semaphore, #tpu.memory_space<semaphore_mem>>) src(%dma_wait3A_19 : memref<10000x128xf32, #tpu.memory_space<hbm>>) dst(%arg9 : memref<125x128xf32, #tpu.memory_space<vmem>>)
    "tpu.region"() ({
      %run_scoped3A = tpu.sem_alloc : memref<!tpu.dma_semaphore, #tpu.memory_space<semaphore_mem>>
      %dma_start3A_45 = arith.constant 40 : i32
      %dma_start3A_46 = arith.constant 0 : i32
      %dma_start3A_47 = tpu.memref_slice %arg3[%add3A, %dma_start3A_45, %dma_start3A_46] : memref<32x80x125xi32, #tpu.memory_space<hbm>> -> memref<1x40x125xi32, #tpu.memory_space<hbm>>
      %dma_start3A_48 = tpu.memref_squeeze %dma_start3A_47 : memref<1x40x125xi32, #tpu.memory_space<hbm>> -> memref<40x125xi32, #tpu.memory_space<hbm>>
      %dma_start3A_49 = arith.constant 40 : i32
      %dma_start3A_50 = arith.constant 0 : i32
      %dma_start3A_51 = tpu.memref_slice %arg3[%add3A, %dma_start3A_49, %dma_start3A_50] : memref<32x80x125xi32, #tpu.memory_space<hbm>> -> memref<1x40x125xi32, #tpu.memory_space<hbm>>
      %dma_start3A_52 = tpu.memref_squeeze %dma_start3A_51 : memref<1x40x125xi32, #tpu.memory_space<hbm>> -> memref<40x125xi32, #tpu.memory_space<hbm>>
      tpu.enqueue_dma source(%dma_start3A_52 : memref<40x125xi32, #tpu.memory_space<hbm>>) target(%arg7 : memref<40x125xi32, #tpu.memory_space<vmem>>) target_semaphore(%run_scoped3A : memref<!tpu.dma_semaphore, #tpu.memory_space<semaphore_mem>>)
      %dma_wait3A_53 = arith.constant 40 : i32
      %dma_wait3A_54 = arith.constant 0 : i32
      %dma_wait3A_55 = tpu.memref_slice %arg3[%add3A, %dma_wait3A_53, %dma_wait3A_54] : memref<32x80x125xi32, #tpu.memory_space<hbm>> -> memref<1x40x125xi32, #tpu.memory_space<hbm>>
      %dma_wait3A_56 = tpu.memref_squeeze %dma_wait3A_55 : memref<1x40x125xi32, #tpu.memory_space<hbm>> -> memref<40x125xi32, #tpu.memory_space<hbm>>
      %dma_wait3A_57 = arith.constant 40 : i32
      %dma_wait3A_58 = arith.constant 0 : i32
      %dma_wait3A_59 = tpu.memref_slice %arg3[%add3A, %dma_wait3A_57, %dma_wait3A_58] : memref<32x80x125xi32, #tpu.memory_space<hbm>> -> memref<1x40x125xi32, #tpu.memory_space<hbm>>
      %dma_wait3A_60 = tpu.memref_squeeze %dma_wait3A_59 : memref<1x40x125xi32, #tpu.memory_space<hbm>> -> memref<40x125xi32, #tpu.memory_space<hbm>>
      tpu.wait_dma2 semaphore(%run_scoped3A : memref<!tpu.dma_semaphore, #tpu.memory_space<semaphore_mem>>) src(%dma_wait3A_60 : memref<40x125xi32, #tpu.memory_space<hbm>>) dst(%arg7 : memref<40x125xi32, #tpu.memory_space<vmem>>)
      tpu.yield
    }) : () -> ()
    "tpu.region"() ({
      %run_scoped3A = tpu.sem_alloc : memref<!tpu.dma_semaphore, #tpu.memory_space<semaphore_mem>>
      %dma_start3A_45 = arith.constant 40 : i32
      %dma_start3A_46 = arith.constant 0 : i32
      %dma_start3A_47 = tpu.memref_slice %arg4[%add3A, %dma_start3A_45, %dma_start3A_46] : memref<32x80x125xi32, #tpu.memory_space<hbm>> -> memref<1x40x125xi32, #tpu.memory_space<hbm>>
      %dma_start3A_48 = tpu.memref_squeeze %dma_start3A_47 : memref<1x40x125xi32, #tpu.memory_space<hbm>> -> memref<40x125xi32, #tpu.memory_space<hbm>>
      %dma_start3A_49 = arith.constant 40 : i32
      %dma_start3A_50 = arith.constant 0 : i32
      %dma_start3A_51 = tpu.memref_slice %arg4[%add3A, %dma_start3A_49, %dma_start3A_50] : memref<32x80x125xi32, #tpu.memory_space<hbm>> -> memref<1x40x125xi32, #tpu.memory_space<hbm>>
      %dma_start3A_52 = tpu.memref_squeeze %dma_start3A_51 : memref<1x40x125xi32, #tpu.memory_space<hbm>> -> memref<40x125xi32, #tpu.memory_space<hbm>>
      tpu.enqueue_dma source(%dma_start3A_52 : memref<40x125xi32, #tpu.memory_space<hbm>>) target(%arg8 : memref<40x125xi32, #tpu.memory_space<vmem>>) target_semaphore(%run_scoped3A : memref<!tpu.dma_semaphore, #tpu.memory_space<semaphore_mem>>)
      %dma_wait3A_53 = arith.constant 40 : i32
      %dma_wait3A_54 = arith.constant 0 : i32
      %dma_wait3A_55 = tpu.memref_slice %arg4[%add3A, %dma_wait3A_53, %dma_wait3A_54] : memref<32x80x125xi32, #tpu.memory_space<hbm>> -> memref<1x40x125xi32, #tpu.memory_space<hbm>>
      %dma_wait3A_56 = tpu.memref_squeeze %dma_wait3A_55 : memref<1x40x125xi32, #tpu.memory_space<hbm>> -> memref<40x125xi32, #tpu.memory_space<hbm>>
      %dma_wait3A_57 = arith.constant 40 : i32
      %dma_wait3A_58 = arith.constant 0 : i32
      %dma_wait3A_59 = tpu.memref_slice %arg4[%add3A, %dma_wait3A_57, %dma_wait3A_58] : memref<32x80x125xi32, #tpu.memory_space<hbm>> -> memref<1x40x125xi32, #tpu.memory_space<hbm>>
      %dma_wait3A_60 = tpu.memref_squeeze %dma_wait3A_59 : memref<1x40x125xi32, #tpu.memory_space<hbm>> -> memref<40x125xi32, #tpu.memory_space<hbm>>
      tpu.wait_dma2 semaphore(%run_scoped3A : memref<!tpu.dma_semaphore, #tpu.memory_space<semaphore_mem>>) src(%dma_wait3A_60 : memref<40x125xi32, #tpu.memory_space<hbm>>) dst(%arg8 : memref<40x125xi32, #tpu.memory_space<vmem>>)
      tpu.yield
    }) : () -> ()
    %dma_start3A_20 = arith.constant 0 : i32
    %dma_start3A_21 = arith.constant 0 : i32
    %dma_start3A_22 = tpu.memref_slice %arg7[%dma_start3A_20, %dma_start3A_21] : memref<40x125xi32, #tpu.memory_space<vmem>> -> memref<1x125xi32, #tpu.memory_space<vmem>>
    %dma_start3A_23 = tpu.memref_squeeze %dma_start3A_22 : memref<1x125xi32, #tpu.memory_space<vmem>> -> memref<125xi32, #tpu.memory_space<vmem>>
    %dma_start3A_24 = arith.constant 0 : i32
    %dma_start3A_25 = arith.constant 0 : i32
    %dma_start3A_26 = tpu.memref_slice %arg2[%dma_start3A_24, %dma_start3A_25] : memref<10000x128xf32, #tpu.memory_space<hbm>> -> memref<10000x128xf32, #tpu.memory_space<hbm>>
    tpu.enqueue_indirect_dma source(%dma_start3A_26 : memref<10000x128xf32, #tpu.memory_space<hbm>>) target(%arg9 : memref<125x128xf32, #tpu.memory_space<vmem>>) offsets(%dma_start3A_23 : memref<125xi32, #tpu.memory_space<vmem>>) semaphore(%arg12 : memref<!tpu.dma_semaphore, #tpu.memory_space<semaphore_mem>>)
    %scan3A_27 = arith.constant 0 : i32
    %scan3A_28 = arith.constant 0 : i32
    %scan3A_29 = arith.constant 20 : i32
    %scan3A_30 = arith.addi %scan3A_28, %scan3A_29 : i32
    %scan3A_31 = arith.constant 1 : i32
    scf.for %scan3A_45 = %scan3A_28 to %scan3A_30 step %scan3A_31  : i32 {
      %mul3A_46 = arith.constant 2 : i32
      %mul3A_47 = arith.muli %mul3A_46, %scan3A_45 : i32
      %add3A_48 = arith.constant 1 : i32
      %add3A_49 = arith.addi %mul3A_47, %add3A_48 : i32
      %add3A_50 = arith.constant 2 : i32
      %add3A_51 = arith.addi %mul3A_47, %add3A_50 : i32
      %min3A = arith.constant 39 : i32
      %min3A_52 = arith.minsi %add3A_51, %min3A : i32
      %dma_start3A_53 = arith.constant 0 : i32
      %dma_start3A_54 = tpu.memref_slice %arg7[%add3A_49, %dma_start3A_53] : memref<40x125xi32, #tpu.memory_space<vmem>> -> memref<1x125xi32, #tpu.memory_space<vmem>>
      %dma_start3A_55 = tpu.memref_squeeze %dma_start3A_54 : memref<1x125xi32, #tpu.memory_space<vmem>> -> memref<125xi32, #tpu.memory_space<vmem>>
      %dma_start3A_56 = arith.constant 0 : i32
      %dma_start3A_57 = arith.constant 0 : i32
      %dma_start3A_58 = tpu.memref_slice %arg2[%dma_start3A_56, %dma_start3A_57] : memref<10000x128xf32, #tpu.memory_space<hbm>> -> memref<10000x128xf32, #tpu.memory_space<hbm>>
      tpu.enqueue_indirect_dma source(%dma_start3A_58 : memref<10000x128xf32, #tpu.memory_space<hbm>>) target(%arg10 : memref<125x128xf32, #tpu.memory_space<vmem>>) offsets(%dma_start3A_55 : memref<125xi32, #tpu.memory_space<vmem>>) semaphore(%arg13 : memref<!tpu.dma_semaphore, #tpu.memory_space<semaphore_mem>>)
      %dma_wait3A_59 = arith.constant 0 : i32
      %dma_wait3A_60 = tpu.memref_slice %arg7[%mul3A_47, %dma_wait3A_59] : memref<40x125xi32, #tpu.memory_space<vmem>> -> memref<1x125xi32, #tpu.memory_space<vmem>>
      %dma_wait3A_61 = tpu.memref_squeeze %dma_wait3A_60 : memref<1x125xi32, #tpu.memory_space<vmem>> -> memref<125xi32, #tpu.memory_space<vmem>>
      %dma_wait3A_62 = arith.constant 0 : i32
      %dma_wait3A_63 = arith.constant 0 : i32
      %dma_wait3A_64 = tpu.memref_slice %arg2[%dma_wait3A_62, %dma_wait3A_63] : memref<10000x128xf32, #tpu.memory_space<hbm>> -> memref<10000x128xf32, #tpu.memory_space<hbm>>
      tpu.wait_indirect_dma semaphore(%arg12 : memref<!tpu.dma_semaphore, #tpu.memory_space<semaphore_mem>>) src(%dma_wait3A_64 : memref<10000x128xf32, #tpu.memory_space<hbm>>) dst(%arg9 : memref<125x128xf32, #tpu.memory_space<vmem>>)
      "tpu.region"() ({
        %run_scoped3A = tpu.sem_alloc : memref<!tpu.dma_semaphore, #tpu.memory_space<semaphore_mem>>
        %dma_start3A_77 = arith.constant 0 : i32
        %dma_start3A_78 = tpu.memref_slice %arg8[%mul3A_47, %dma_start3A_77] : memref<40x125xi32, #tpu.memory_space<vmem>> -> memref<1x125xi32, #tpu.memory_space<vmem>>
        %dma_start3A_79 = tpu.memref_squeeze %dma_start3A_78 : memref<1x125xi32, #tpu.memory_space<vmem>> -> memref<125xi32, #tpu.memory_space<vmem>>
        %dma_start3A_80 = arith.constant 0 : i32
        %dma_start3A_81 = arith.constant 0 : i32
        %dma_start3A_82 = tpu.memref_slice %arg11[%dma_start3A_80, %dma_start3A_81] : memref<10240x128xf32, #tpu.memory_space<vmem_shared>> -> memref<10240x128xf32, #tpu.memory_space<vmem_shared>>
        tpu.enqueue_indirect_dma source(%arg9 : memref<125x128xf32, #tpu.memory_space<vmem>>) target(%dma_start3A_82 : memref<10240x128xf32, #tpu.memory_space<vmem_shared>>) offsets(%dma_start3A_79 : memref<125xi32, #tpu.memory_space<vmem>>) semaphore(%run_scoped3A : memref<!tpu.dma_semaphore, #tpu.memory_space<semaphore_mem>>) {add = true}
        %dma_wait3A_83 = arith.constant 0 : i32
        %dma_wait3A_84 = tpu.memref_slice %arg8[%mul3A_47, %dma_wait3A_83] : memref<40x125xi32, #tpu.memory_space<vmem>> -> memref<1x125xi32, #tpu.memory_space<vmem>>
        %dma_wait3A_85 = tpu.memref_squeeze %dma_wait3A_84 : memref<1x125xi32, #tpu.memory_space<vmem>> -> memref<125xi32, #tpu.memory_space<vmem>>
        %dma_wait3A_86 = arith.constant 0 : i32
        %dma_wait3A_87 = arith.constant 0 : i32
        %dma_wait3A_88 = tpu.memref_slice %arg11[%dma_wait3A_86, %dma_wait3A_87] : memref<10240x128xf32, #tpu.memory_space<vmem_shared>> -> memref<10240x128xf32, #tpu.memory_space<vmem_shared>>
        tpu.wait_indirect_dma semaphore(%run_scoped3A : memref<!tpu.dma_semaphore, #tpu.memory_space<semaphore_mem>>) src(%arg9 : memref<125x128xf32, #tpu.memory_space<vmem>>) dst(%dma_wait3A_88 : memref<10240x128xf32, #tpu.memory_space<vmem_shared>>)
        tpu.yield
      }) : () -> ()
      %dma_start3A_65 = arith.constant 0 : i32
      %dma_start3A_66 = tpu.memref_slice %arg7[%min3A_52, %dma_start3A_65] : memref<40x125xi32, #tpu.memory_space<vmem>> -> memref<1x125xi32, #tpu.memory_space<vmem>>
      %dma_start3A_67 = tpu.memref_squeeze %dma_start3A_66 : memref<1x125xi32, #tpu.memory_space<vmem>> -> memref<125xi32, #tpu.memory_space<vmem>>
      %dma_start3A_68 = arith.constant 0 : i32
      %dma_start3A_69 = arith.constant 0 : i32
      %dma_start3A_70 = tpu.memref_slice %arg2[%dma_start3A_68, %dma_start3A_69] : memref<10000x128xf32, #tpu.memory_space<hbm>> -> memref<10000x128xf32, #tpu.memory_space<hbm>>
      tpu.enqueue_indirect_dma source(%dma_start3A_70 : memref<10000x128xf32, #tpu.memory_space<hbm>>) target(%arg9 : memref<125x128xf32, #tpu.memory_space<vmem>>) offsets(%dma_start3A_67 : memref<125xi32, #tpu.memory_space<vmem>>) semaphore(%arg12 : memref<!tpu.dma_semaphore, #tpu.memory_space<semaphore_mem>>)
      %dma_wait3A_71 = arith.constant 0 : i32
      %dma_wait3A_72 = tpu.memref_slice %arg7[%add3A_49, %dma_wait3A_71] : memref<40x125xi32, #tpu.memory_space<vmem>> -> memref<1x125xi32, #tpu.memory_space<vmem>>
      %dma_wait3A_73 = tpu.memref_squeeze %dma_wait3A_72 : memref<1x125xi32, #tpu.memory_space<vmem>> -> memref<125xi32, #tpu.memory_space<vmem>>
      %dma_wait3A_74 = arith.constant 0 : i32
      %dma_wait3A_75 = arith.constant 0 : i32
      %dma_wait3A_76 = tpu.memref_slice %arg2[%dma_wait3A_74, %dma_wait3A_75] : memref<10000x128xf32, #tpu.memory_space<hbm>> -> memref<10000x128xf32, #tpu.memory_space<hbm>>
      tpu.wait_indirect_dma semaphore(%arg13 : memref<!tpu.dma_semaphore, #tpu.memory_space<semaphore_mem>>) src(%dma_wait3A_76 : memref<10000x128xf32, #tpu.memory_space<hbm>>) dst(%arg10 : memref<125x128xf32, #tpu.memory_space<vmem>>)
      "tpu.region"() ({
        %run_scoped3A = tpu.sem_alloc : memref<!tpu.dma_semaphore, #tpu.memory_space<semaphore_mem>>
        %dma_start3A_77 = arith.constant 0 : i32
        %dma_start3A_78 = tpu.memref_slice %arg8[%add3A_49, %dma_start3A_77] : memref<40x125xi32, #tpu.memory_space<vmem>> -> memref<1x125xi32, #tpu.memory_space<vmem>>
        %dma_start3A_79 = tpu.memref_squeeze %dma_start3A_78 : memref<1x125xi32, #tpu.memory_space<vmem>> -> memref<125xi32, #tpu.memory_space<vmem>>
        %dma_start3A_80 = arith.constant 0 : i32
        %dma_start3A_81 = arith.constant 0 : i32
        %dma_start3A_82 = tpu.memref_slice %arg11[%dma_start3A_80, %dma_start3A_81] : memref<10240x128xf32, #tpu.memory_space<vmem_shared>> -> memref<10240x128xf32, #tpu.memory_space<vmem_shared>>
        tpu.enqueue_indirect_dma source(%arg10 : memref<125x128xf32, #tpu.memory_space<vmem>>) target(%dma_start3A_82 : memref<10240x128xf32, #tpu.memory_space<vmem_shared>>) offsets(%dma_start3A_79 : memref<125xi32, #tpu.memory_space<vmem>>) semaphore(%run_scoped3A : memref<!tpu.dma_semaphore, #tpu.memory_space<semaphore_mem>>) {add = true}
        %dma_wait3A_83 = arith.constant 0 : i32
        %dma_wait3A_84 = tpu.memref_slice %arg8[%add3A_49, %dma_wait3A_83] : memref<40x125xi32, #tpu.memory_space<vmem>> -> memref<1x125xi32, #tpu.memory_space<vmem>>
        %dma_wait3A_85 = tpu.memref_squeeze %dma_wait3A_84 : memref<1x125xi32, #tpu.memory_space<vmem>> -> memref<125xi32, #tpu.memory_space<vmem>>
        %dma_wait3A_86 = arith.constant 0 : i32
        %dma_wait3A_87 = arith.constant 0 : i32
        %dma_wait3A_88 = tpu.memref_slice %arg11[%dma_wait3A_86, %dma_wait3A_87] : memref<10240x128xf32, #tpu.memory_space<vmem_shared>> -> memref<10240x128xf32, #tpu.memory_space<vmem_shared>>
        tpu.wait_indirect_dma semaphore(%run_scoped3A : memref<!tpu.dma_semaphore, #tpu.memory_space<semaphore_mem>>) src(%arg10 : memref<125x128xf32, #tpu.memory_space<vmem>>) dst(%dma_wait3A_88 : memref<10240x128xf32, #tpu.memory_space<vmem_shared>>)
        tpu.yield
      }) : () -> ()
    }
    %scan3A_32 = arith.constant 20 : i32
    %dma_wait3A_33 = arith.constant 39 : i32
    %dma_wait3A_34 = arith.constant 0 : i32
    %dma_wait3A_35 = tpu.memref_slice %arg7[%dma_wait3A_33, %dma_wait3A_34] : memref<40x125xi32, #tpu.memory_space<vmem>> -> memref<1x125xi32, #tpu.memory_space<vmem>>
    %dma_wait3A_36 = tpu.memref_squeeze %dma_wait3A_35 : memref<1x125xi32, #tpu.memory_space<vmem>> -> memref<125xi32, #tpu.memory_space<vmem>>
    %dma_wait3A_37 = arith.constant 0 : i32
    %dma_wait3A_38 = arith.constant 0 : i32
    %dma_wait3A_39 = tpu.memref_slice %arg2[%dma_wait3A_37, %dma_wait3A_38] : memref<10000x128xf32, #tpu.memory_space<hbm>> -> memref<10000x128xf32, #tpu.memory_space<hbm>>
    tpu.wait_indirect_dma semaphore(%arg12 : memref<!tpu.dma_semaphore, #tpu.memory_space<semaphore_mem>>) src(%dma_wait3A_39 : memref<10000x128xf32, #tpu.memory_space<hbm>>) dst(%arg9 : memref<125x128xf32, #tpu.memory_space<vmem>>)
    %barrier3A_40 = arith.constant 0 : index
    tpu.barrier barrier_id(%barrier3A_40)
    %mul3A_41 = arith.constant 640 : i32
    %mul3A_42 = arith.muli %arg1, %mul3A_41 : i32
    %mul3A_43 = arith.constant 640 : i32
    %mul3A_44 = arith.muli %arg1, %mul3A_43 : i32
    "tpu.region"() ({
      %run_scoped3A = tpu.sem_alloc : memref<!tpu.dma_semaphore, #tpu.memory_space<semaphore_mem>>
      %dma_start3A_45 = arith.constant 0 : i32
      %dma_start3A_46 = tpu.memref_slice %arg6[%arg0, %mul3A_44, %dma_start3A_45] : memref<2x10240x128xf32, #tpu.memory_space<hbm>> -> memref<1x640x128xf32, #tpu.memory_space<hbm>>
      %dma_start3A_47 = tpu.memref_squeeze %dma_start3A_46 : memref<1x640x128xf32, #tpu.memory_space<hbm>> -> memref<640x128xf32, #tpu.memory_space<hbm>>
      %dma_start3A_48 = arith.constant 0 : i32
      %dma_start3A_49 = tpu.memref_slice %arg11[%mul3A_42, %dma_start3A_48] : memref<10240x128xf32, #tpu.memory_space<vmem_shared>> -> memref<640x128xf32, #tpu.memory_space<vmem_shared>>
      tpu.enqueue_dma source(%dma_start3A_49 : memref<640x128xf32, #tpu.memory_space<vmem_shared>>) target(%dma_start3A_47 : memref<640x128xf32, #tpu.memory_space<hbm>>) target_semaphore(%run_scoped3A : memref<!tpu.dma_semaphore, #tpu.memory_space<semaphore_mem>>)
      %dma_wait3A_50 = arith.constant 0 : i32
      %dma_wait3A_51 = tpu.memref_slice %arg6[%arg0, %mul3A_44, %dma_wait3A_50] : memref<2x10240x128xf32, #tpu.memory_space<hbm>> -> memref<1x640x128xf32, #tpu.memory_space<hbm>>
      %dma_wait3A_52 = tpu.memref_squeeze %dma_wait3A_51 : memref<1x640x128xf32, #tpu.memory_space<hbm>> -> memref<640x128xf32, #tpu.memory_space<hbm>>
      %dma_wait3A_53 = arith.constant 0 : i32
      %dma_wait3A_54 = tpu.memref_slice %arg11[%mul3A_42, %dma_wait3A_53] : memref<10240x128xf32, #tpu.memory_space<vmem_shared>> -> memref<640x128xf32, #tpu.memory_space<vmem_shared>>
      tpu.wait_dma2 semaphore(%run_scoped3A : memref<!tpu.dma_semaphore, #tpu.memory_space<semaphore_mem>>) src(%dma_wait3A_54 : memref<640x128xf32, #tpu.memory_space<vmem_shared>>) dst(%dma_wait3A_52 : memref<640x128xf32, #tpu.memory_space<hbm>>)
      tpu.yield
    }) : () -> ()
    return
  }
}

#map = affine_map<(d0, d1) -> (0, 0, 0)>
#map1 = affine_map<(d0, d1) -> (0, 0)>
module attributes {stable_mosaic.version = 14 : i64} {
  func.func @deg_kernel(%arg0: i32, %arg1: i32, %arg2: memref<32x80x125xi32, #tpu.memory_space<hbm>>, %arg3: memref<125x128xf32, #tpu.memory_space<hbm>>, %arg4: memref<640x128xf32, #tpu.memory_space<hbm>>, %arg5: memref<2x10240x128xf32, #tpu.memory_space<hbm>>, %arg6: memref<80x125xi32, #tpu.memory_space<vmem>>, %arg7: memref<125x128xf32, #tpu.memory_space<vmem>>, %arg8: memref<10240x128xf32, #tpu.memory_space<vmem_shared>>, %arg9: memref<!tpu.dma_semaphore, #tpu.memory_space<semaphore_mem>>) attributes {dimension_semantics = [#tpu.dimension_semantics<core_parallel>, #tpu.dimension_semantics<subcore_parallel>], iteration_bounds = array<i64: 2, 16>, scalar_prefetch = 0 : i64, scratch_operands = 4 : i64, tpu.core_type = #tpu.core_type<sc_vector_subcore>, window_params = [{transform_indices = #map}, {transform_indices = #map1}, {transform_indices = #map1}, {transform_indices = #map}]} {
    %mul3A = arith.constant 16 : i32
    %mul3A_0 = arith.muli %arg0, %mul3A : i32
    %add3A = arith.addi %mul3A_0, %arg1 : i32
    %mul3A_1 = arith.constant 640 : i32
    %mul3A_2 = arith.muli %arg1, %mul3A_1 : i32
    "tpu.region"() ({
      %run_scoped3A = tpu.sem_alloc : memref<!tpu.dma_semaphore, #tpu.memory_space<semaphore_mem>>
      %dma_start3A = arith.constant 0 : i32
      %dma_start3A_13 = tpu.memref_slice %arg8[%mul3A_2, %dma_start3A] : memref<10240x128xf32, #tpu.memory_space<vmem_shared>> -> memref<640x128xf32, #tpu.memory_space<vmem_shared>>
      tpu.enqueue_dma source(%arg4 : memref<640x128xf32, #tpu.memory_space<hbm>>) target(%dma_start3A_13 : memref<640x128xf32, #tpu.memory_space<vmem_shared>>) target_semaphore(%run_scoped3A : memref<!tpu.dma_semaphore, #tpu.memory_space<semaphore_mem>>)
      %dma_wait3A = arith.constant 0 : i32
      %dma_wait3A_14 = tpu.memref_slice %arg8[%mul3A_2, %dma_wait3A] : memref<10240x128xf32, #tpu.memory_space<vmem_shared>> -> memref<640x128xf32, #tpu.memory_space<vmem_shared>>
      tpu.wait_dma2 semaphore(%run_scoped3A : memref<!tpu.dma_semaphore, #tpu.memory_space<semaphore_mem>>) src(%arg4 : memref<640x128xf32, #tpu.memory_space<hbm>>) dst(%dma_wait3A_14 : memref<640x128xf32, #tpu.memory_space<vmem_shared>>)
      tpu.yield
    }) : () -> ()
    "tpu.region"() ({
      %run_scoped3A = tpu.sem_alloc : memref<!tpu.dma_semaphore, #tpu.memory_space<semaphore_mem>>
      tpu.enqueue_dma source(%arg3 : memref<125x128xf32, #tpu.memory_space<hbm>>) target(%arg7 : memref<125x128xf32, #tpu.memory_space<vmem>>) target_semaphore(%run_scoped3A : memref<!tpu.dma_semaphore, #tpu.memory_space<semaphore_mem>>)
      tpu.wait_dma2 semaphore(%run_scoped3A : memref<!tpu.dma_semaphore, #tpu.memory_space<semaphore_mem>>) src(%arg3 : memref<125x128xf32, #tpu.memory_space<hbm>>) dst(%arg7 : memref<125x128xf32, #tpu.memory_space<vmem>>)
      tpu.yield
    }) : () -> ()
    "tpu.region"() ({
      %run_scoped3A = tpu.sem_alloc : memref<!tpu.dma_semaphore, #tpu.memory_space<semaphore_mem>>
      %dma_start3A = arith.constant 0 : i32
      %dma_start3A_13 = arith.constant 0 : i32
      %dma_start3A_14 = tpu.memref_slice %arg2[%add3A, %dma_start3A, %dma_start3A_13] : memref<32x80x125xi32, #tpu.memory_space<hbm>> -> memref<1x80x125xi32, #tpu.memory_space<hbm>>
      %dma_start3A_15 = tpu.memref_squeeze %dma_start3A_14 : memref<1x80x125xi32, #tpu.memory_space<hbm>> -> memref<80x125xi32, #tpu.memory_space<hbm>>
      %dma_start3A_16 = arith.constant 0 : i32
      %dma_start3A_17 = arith.constant 0 : i32
      %dma_start3A_18 = tpu.memref_slice %arg2[%add3A, %dma_start3A_16, %dma_start3A_17] : memref<32x80x125xi32, #tpu.memory_space<hbm>> -> memref<1x80x125xi32, #tpu.memory_space<hbm>>
      %dma_start3A_19 = tpu.memref_squeeze %dma_start3A_18 : memref<1x80x125xi32, #tpu.memory_space<hbm>> -> memref<80x125xi32, #tpu.memory_space<hbm>>
      tpu.enqueue_dma source(%dma_start3A_19 : memref<80x125xi32, #tpu.memory_space<hbm>>) target(%arg6 : memref<80x125xi32, #tpu.memory_space<vmem>>) target_semaphore(%run_scoped3A : memref<!tpu.dma_semaphore, #tpu.memory_space<semaphore_mem>>)
      %dma_wait3A = arith.constant 0 : i32
      %dma_wait3A_20 = arith.constant 0 : i32
      %dma_wait3A_21 = tpu.memref_slice %arg2[%add3A, %dma_wait3A, %dma_wait3A_20] : memref<32x80x125xi32, #tpu.memory_space<hbm>> -> memref<1x80x125xi32, #tpu.memory_space<hbm>>
      %dma_wait3A_22 = tpu.memref_squeeze %dma_wait3A_21 : memref<1x80x125xi32, #tpu.memory_space<hbm>> -> memref<80x125xi32, #tpu.memory_space<hbm>>
      %dma_wait3A_23 = arith.constant 0 : i32
      %dma_wait3A_24 = arith.constant 0 : i32
      %dma_wait3A_25 = tpu.memref_slice %arg2[%add3A, %dma_wait3A_23, %dma_wait3A_24] : memref<32x80x125xi32, #tpu.memory_space<hbm>> -> memref<1x80x125xi32, #tpu.memory_space<hbm>>
      %dma_wait3A_26 = tpu.memref_squeeze %dma_wait3A_25 : memref<1x80x125xi32, #tpu.memory_space<hbm>> -> memref<80x125xi32, #tpu.memory_space<hbm>>
      tpu.wait_dma2 semaphore(%run_scoped3A : memref<!tpu.dma_semaphore, #tpu.memory_space<semaphore_mem>>) src(%dma_wait3A_26 : memref<80x125xi32, #tpu.memory_space<hbm>>) dst(%arg6 : memref<80x125xi32, #tpu.memory_space<vmem>>)
      tpu.yield
    }) : () -> ()
    %barrier3A = arith.constant 0 : index
    tpu.barrier barrier_id(%barrier3A)
    %scan3A = arith.constant 0 : i32
    %scan3A_3 = arith.constant 0 : i32
    %scan3A_4 = arith.constant 80 : i32
    %scan3A_5 = arith.addi %scan3A_3, %scan3A_4 : i32
    %scan3A_6 = arith.constant 1 : i32
    scf.for %scan3A_13 = %scan3A_3 to %scan3A_5 step %scan3A_6  : i32 {
      "tpu.region"() ({
        %run_scoped3A = tpu.sem_alloc : memref<!tpu.dma_semaphore, #tpu.memory_space<semaphore_mem>>
        %dma_start3A = arith.constant 0 : i32
        %dma_start3A_14 = tpu.memref_slice %arg6[%scan3A_13, %dma_start3A] : memref<80x125xi32, #tpu.memory_space<vmem>> -> memref<1x125xi32, #tpu.memory_space<vmem>>
        %dma_start3A_15 = tpu.memref_squeeze %dma_start3A_14 : memref<1x125xi32, #tpu.memory_space<vmem>> -> memref<125xi32, #tpu.memory_space<vmem>>
        %dma_start3A_16 = arith.constant 0 : i32
        %dma_start3A_17 = arith.constant 0 : i32
        %dma_start3A_18 = tpu.memref_slice %arg8[%dma_start3A_16, %dma_start3A_17] : memref<10240x128xf32, #tpu.memory_space<vmem_shared>> -> memref<10240x128xf32, #tpu.memory_space<vmem_shared>>
        tpu.enqueue_indirect_dma source(%arg7 : memref<125x128xf32, #tpu.memory_space<vmem>>) target(%dma_start3A_18 : memref<10240x128xf32, #tpu.memory_space<vmem_shared>>) offsets(%dma_start3A_15 : memref<125xi32, #tpu.memory_space<vmem>>) semaphore(%run_scoped3A : memref<!tpu.dma_semaphore, #tpu.memory_space<semaphore_mem>>) {add = true}
        %dma_wait3A = arith.constant 0 : i32
        %dma_wait3A_19 = tpu.memref_slice %arg6[%scan3A_13, %dma_wait3A] : memref<80x125xi32, #tpu.memory_space<vmem>> -> memref<1x125xi32, #tpu.memory_space<vmem>>
        %dma_wait3A_20 = tpu.memref_squeeze %dma_wait3A_19 : memref<1x125xi32, #tpu.memory_space<vmem>> -> memref<125xi32, #tpu.memory_space<vmem>>
        %dma_wait3A_21 = arith.constant 0 : i32
        %dma_wait3A_22 = arith.constant 0 : i32
        %dma_wait3A_23 = tpu.memref_slice %arg8[%dma_wait3A_21, %dma_wait3A_22] : memref<10240x128xf32, #tpu.memory_space<vmem_shared>> -> memref<10240x128xf32, #tpu.memory_space<vmem_shared>>
        tpu.wait_indirect_dma semaphore(%run_scoped3A : memref<!tpu.dma_semaphore, #tpu.memory_space<semaphore_mem>>) src(%arg7 : memref<125x128xf32, #tpu.memory_space<vmem>>) dst(%dma_wait3A_23 : memref<10240x128xf32, #tpu.memory_space<vmem_shared>>)
        tpu.yield
      }) : () -> ()
    }
    %scan3A_7 = arith.constant 80 : i32
    %barrier3A_8 = arith.constant 0 : index
    tpu.barrier barrier_id(%barrier3A_8)
    %mul3A_9 = arith.constant 640 : i32
    %mul3A_10 = arith.muli %arg1, %mul3A_9 : i32
    %mul3A_11 = arith.constant 640 : i32
    %mul3A_12 = arith.muli %arg1, %mul3A_11 : i32
    "tpu.region"() ({
      %run_scoped3A = tpu.sem_alloc : memref<!tpu.dma_semaphore, #tpu.memory_space<semaphore_mem>>
      %dma_start3A = arith.constant 0 : i32
      %dma_start3A_13 = tpu.memref_slice %arg5[%arg0, %mul3A_12, %dma_start3A] : memref<2x10240x128xf32, #tpu.memory_space<hbm>> -> memref<1x640x128xf32, #tpu.memory_space<hbm>>
      %dma_start3A_14 = tpu.memref_squeeze %dma_start3A_13 : memref<1x640x128xf32, #tpu.memory_space<hbm>> -> memref<640x128xf32, #tpu.memory_space<hbm>>
      %dma_start3A_15 = arith.constant 0 : i32
      %dma_start3A_16 = tpu.memref_slice %arg8[%mul3A_10, %dma_start3A_15] : memref<10240x128xf32, #tpu.memory_space<vmem_shared>> -> memref<640x128xf32, #tpu.memory_space<vmem_shared>>
      tpu.enqueue_dma source(%dma_start3A_16 : memref<640x128xf32, #tpu.memory_space<vmem_shared>>) target(%dma_start3A_14 : memref<640x128xf32, #tpu.memory_space<hbm>>) target_semaphore(%run_scoped3A : memref<!tpu.dma_semaphore, #tpu.memory_space<semaphore_mem>>)
      %dma_wait3A = arith.constant 0 : i32
      %dma_wait3A_17 = tpu.memref_slice %arg5[%arg0, %mul3A_12, %dma_wait3A] : memref<2x10240x128xf32, #tpu.memory_space<hbm>> -> memref<1x640x128xf32, #tpu.memory_space<hbm>>
      %dma_wait3A_18 = tpu.memref_squeeze %dma_wait3A_17 : memref<1x640x128xf32, #tpu.memory_space<hbm>> -> memref<640x128xf32, #tpu.memory_space<hbm>>
      %dma_wait3A_19 = arith.constant 0 : i32
      %dma_wait3A_20 = tpu.memref_slice %arg8[%mul3A_10, %dma_wait3A_19] : memref<10240x128xf32, #tpu.memory_space<vmem_shared>> -> memref<640x128xf32, #tpu.memory_space<vmem_shared>>
      tpu.wait_dma2 semaphore(%run_scoped3A : memref<!tpu.dma_semaphore, #tpu.memory_space<semaphore_mem>>) src(%dma_wait3A_20 : memref<640x128xf32, #tpu.memory_space<vmem_shared>>) dst(%dma_wait3A_18 : memref<640x128xf32, #tpu.memory_space<hbm>>)
      tpu.yield
    }) : () -> ()
    return
  }
}

module attributes {stable_mosaic.version = 14 : i64} {
  func.func @_mm_body(%arg0: i32, %arg1: memref<1000x128xf32, #tpu.memory_space<vmem>>, %arg2: memref<128x128xf32, #tpu.memory_space<vmem>>, %arg3: memref<1000x128xf32, #tpu.memory_space<vmem>>) attributes {dimension_semantics = [#tpu.dimension_semantics<arbitrary>], iteration_bounds = array<i64: 10>, scalar_prefetch = 0 : i64, scratch_operands = 0 : i64, tpu.core_type = #tpu.core_type<tc>, window_params = [{transform_indices = @transform_0, window_bounds = array<i64: 1000, 128>}, {pipeline_mode = #tpu.pipeline_mode<synchronous>, transform_indices = @transform_1, window_bounds = array<i64: 128, 128>}, {transform_indices = @transform_2, window_bounds = array<i64: 1000, 128>}]} {
    %get3A = arith.constant 0 : index
    %get3A_0 = arith.constant 0 : index
    %get3A_1 = vector.load %arg1[%get3A, %get3A_0] : memref<1000x128xf32, #tpu.memory_space<vmem>>, vector<1000x128xf32>
    %get3A_2 = arith.constant 0 : index
    %get3A_3 = arith.constant 0 : index
    %get3A_4 = vector.load %arg2[%get3A_2, %get3A_3] : memref<128x128xf32, #tpu.memory_space<vmem>>, vector<128x128xf32>
    %dot_general3A = arith.constant dense<0.000000e+00> : vector<1000x128xf32>
    %dot_general3A_5 = tpu.matmul %get3A_1, %get3A_4, %dot_general3A {dimension_numbers = #tpu.dot_dimension_numbers<[1], [0], [0], [1], [0, 0, 1, 1], [], []>, transpose_lhs_hint = false} : vector<1000x128xf32>, vector<128x128xf32>, vector<1000x128xf32> -> vector<1000x128xf32>
    %swap3A = arith.constant 0 : index
    %swap3A_6 = arith.constant 0 : index
    %swap3A_7 = vector.load %arg3[%swap3A, %swap3A_6] : memref<1000x128xf32, #tpu.memory_space<vmem>>, vector<1000x128xf32>
    tpu.vector_store %arg3[%swap3A, %swap3A_6], %dot_general3A_5 {strides = array<i32>} : memref<1000x128xf32, #tpu.memory_space<vmem>>, vector<1000x128xf32>,
    return
  }
  func.func @transform_0(%arg0: i32) -> (i32, i32) {
    %c0_i32 = arith.constant 0 : i32
    %c0_i32_0 = arith.constant 0 : i32
    return %arg0, %c0_i32 : i32, i32
  }
  func.func @transform_1(%arg0: i32) -> (i32, i32) {
    %c0_i32 = arith.constant 0 : i32
    %c0_i32_0 = arith.constant 0 : i32
    %c0_i32_1 = arith.constant 0 : i32
    return %c0_i32, %c0_i32_0 : i32, i32
  }
  func.func @transform_2(%arg0: i32) -> (i32, i32) {
    %c0_i32 = arith.constant 0 : i32
    %c0_i32_0 = arith.constant 0 : i32
    return %arg0, %c0_i32 : i32, i32
  }
}

module attributes {stable_mosaic.version = 14 : i64} {
  func.func @_scale_body(%arg0: i32, %arg1: memref<1000x128xf32, #tpu.memory_space<vmem>>, %arg2: memref<2x1000x128xf32, #tpu.memory_space<vmem>>, %arg3: memref<1000x128xf32, #tpu.memory_space<vmem>>) attributes {dimension_semantics = [#tpu.dimension_semantics<arbitrary>], iteration_bounds = array<i64: 10>, scalar_prefetch = 0 : i64, scratch_operands = 0 : i64, tpu.core_type = #tpu.core_type<tc>, window_params = [{transform_indices = @transform_0, window_bounds = array<i64: 1000, 128>}, {transform_indices = @transform_1, window_bounds = array<i64: 2, 1000, 128>}, {transform_indices = @transform_2, window_bounds = array<i64: 1000, 128>}]} {
    %get3A = arith.constant 0 : index
    %get3A_0 = arith.constant 0 : index
    %get3A_1 = vector.load %arg1[%get3A, %get3A_0] : memref<1000x128xf32, #tpu.memory_space<vmem>>, vector<1000x128xf32>
    %get3A_2 = arith.constant 0 : index
    %get3A_3 = arith.constant 0 : index
    %get3A_4 = arith.constant 0 : index
    %get3A_5 = vector.load %arg2[%get3A_2, %get3A_3, %get3A_4] : memref<2x1000x128xf32, #tpu.memory_space<vmem>>, vector<1x1000x1xf32>
    %get3A_6 = vector.shape_cast %get3A_5 : vector<1x1000x1xf32> to vector<1000x1xf32>
    %get3A_7 = arith.constant 1 : index
    %get3A_8 = arith.constant 0 : index
    %get3A_9 = arith.constant 0 : index
    %get3A_10 = vector.load %arg2[%get3A_7, %get3A_8, %get3A_9] : memref<2x1000x128xf32, #tpu.memory_space<vmem>>, vector<1x1000x1xf32>
    %get3A_11 = vector.shape_cast %get3A_10 : vector<1x1000x1xf32> to vector<1000x1xf32>
    %add3A = arith.addf %get3A_6, %get3A_11 : vector<1000x1xf32>
    %add3A_12 = arith.constant 1.000000e+00 : f32
    %add3A_13 = vector.broadcast %add3A_12 : f32 to vector<1000x1xf32>
    %add3A_14 = arith.addf %add3A, %add3A_13 : vector<1000x1xf32>
    %rsqrt3A = math.rsqrt %add3A_14 : vector<1000x1xf32>
    %mul3A = vector.broadcast %rsqrt3A : vector<1000x1xf32> to vector<1000x128xf32>
    %mul3A_15 = arith.mulf %get3A_1, %mul3A : vector<1000x128xf32>
    %swap3A = arith.constant 0 : index
    %swap3A_16 = arith.constant 0 : index
    %swap3A_17 = vector.load %arg3[%swap3A, %swap3A_16] : memref<1000x128xf32, #tpu.memory_space<vmem>>, vector<1000x128xf32>
    tpu.vector_store %arg3[%swap3A, %swap3A_16], %mul3A_15 {strides = array<i32>} : memref<1000x128xf32, #tpu.memory_space<vmem>>, vector<1000x128xf32>,
    return
  }
  func.func @transform_0(%arg0: i32) -> (i32, i32) {
    %c0_i32 = arith.constant 0 : i32
    %c0_i32_0 = arith.constant 0 : i32
    return %arg0, %c0_i32 : i32, i32
  }
  func.func @transform_1(%arg0: i32) -> (i32, i32, i32) {
    %c0_i32 = arith.constant 0 : i32
    %c0_i32_0 = arith.constant 0 : i32
    %c0_i32_1 = arith.constant 0 : i32
    return %c0_i32, %arg0, %c0_i32_0 : i32, i32, i32
  }
  func.func @transform_2(%arg0: i32) -> (i32, i32) {
    %c0_i32 = arith.constant 0 : i32
    %c0_i32_0 = arith.constant 0 : i32
    return %arg0, %c0_i32 : i32, i32
  }
}

module attributes {stable_mosaic.version = 14 : i64} {
  func.func @_mid_body(%arg0: i32, %arg1: memref<2x1000x128xf32, #tpu.memory_space<vmem>>, %arg2: memref<1000x128xf32, #tpu.memory_space<vmem>>, %arg3: memref<2x1000x128xf32, #tpu.memory_space<vmem>>, %arg4: memref<128x128xf32, #tpu.memory_space<vmem>>, %arg5: memref<1x128xf32, #tpu.memory_space<vmem>>, %arg6: memref<1000x128xf32, #tpu.memory_space<vmem>>, %arg7: memref<1000x128xf32, #tpu.memory_space<vmem>>) attributes {dimension_semantics = [#tpu.dimension_semantics<arbitrary>], iteration_bounds = array<i64: 10>, scalar_prefetch = 0 : i64, scratch_operands = 0 : i64, tpu.core_type = #tpu.core_type<tc>, window_params = [{transform_indices = @transform_0, window_bounds = array<i64: 2, 1000, 128>}, {transform_indices = @transform_1, window_bounds = array<i64: 1000, 128>}, {transform_indices = @transform_2, window_bounds = array<i64: 2, 1000, 128>}, {pipeline_mode = #tpu.pipeline_mode<synchronous>, transform_indices = @transform_3, window_bounds = array<i64: 128, 128>}, {pipeline_mode = #tpu.pipeline_mode<synchronous>, transform_indices = @transform_4, window_bounds = array<i64: 1, 128>}, {transform_indices = @transform_5, window_bounds = array<i64: 1000, 128>}, {transform_indices = @transform_6, window_bounds = array<i64: 1000, 128>}]} {
    %get3A = arith.constant 0 : index
    %get3A_0 = arith.constant 0 : index
    %get3A_1 = arith.constant 0 : index
    %get3A_2 = vector.load %arg3[%get3A, %get3A_0, %get3A_1] : memref<2x1000x128xf32, #tpu.memory_space<vmem>>, vector<1x1000x1xf32>
    %get3A_3 = vector.shape_cast %get3A_2 : vector<1x1000x1xf32> to vector<1000x1xf32>
    %get3A_4 = arith.constant 1 : index
    %get3A_5 = arith.constant 0 : index
    %get3A_6 = arith.constant 0 : index
    %get3A_7 = vector.load %arg3[%get3A_4, %get3A_5, %get3A_6] : memref<2x1000x128xf32, #tpu.memory_space<vmem>>, vector<1x1000x1xf32>
    %get3A_8 = vector.shape_cast %get3A_7 : vector<1x1000x1xf32> to vector<1000x1xf32>
    %add3A = arith.addf %get3A_3, %get3A_8 : vector<1000x1xf32>
    %add3A_9 = arith.constant 1.000000e+00 : f32
    %add3A_10 = vector.broadcast %add3A_9 : f32 to vector<1000x1xf32>
    %add3A_11 = arith.addf %add3A, %add3A_10 : vector<1000x1xf32>
    %rsqrt3A = math.rsqrt %add3A_11 : vector<1000x1xf32>
    %get3A_12 = arith.constant 0 : index
    %get3A_13 = arith.constant 0 : index
    %get3A_14 = arith.constant 0 : index
    %get3A_15 = vector.load %arg1[%get3A_12, %get3A_13, %get3A_14] : memref<2x1000x128xf32, #tpu.memory_space<vmem>>, vector<1x1000x128xf32>
    %get3A_16 = vector.shape_cast %get3A_15 : vector<1x1000x128xf32> to vector<1000x128xf32>
    %get3A_17 = arith.constant 1 : index
    %get3A_18 = arith.constant 0 : index
    %get3A_19 = arith.constant 0 : index
    %get3A_20 = vector.load %arg1[%get3A_17, %get3A_18, %get3A_19] : memref<2x1000x128xf32, #tpu.memory_space<vmem>>, vector<1x1000x128xf32>
    %get3A_21 = vector.shape_cast %get3A_20 : vector<1x1000x128xf32> to vector<1000x128xf32>
    %add3A_22 = arith.addf %get3A_16, %get3A_21 : vector<1000x128xf32>
    %get3A_23 = arith.constant 0 : index
    %get3A_24 = arith.constant 0 : index
    %get3A_25 = vector.load %arg2[%get3A_23, %get3A_24] : memref<1000x128xf32, #tpu.memory_space<vmem>>, vector<1000x128xf32>
    %add3A_26 = arith.addf %add3A_22, %get3A_25 : vector<1000x128xf32>
    %mul3A = vector.broadcast %rsqrt3A : vector<1000x1xf32> to vector<1000x128xf32>
    %mul3A_27 = arith.mulf %mul3A, %add3A_26 : vector<1000x128xf32>
    %get3A_28 = arith.constant 0 : index
    %get3A_29 = arith.constant 0 : index
    %get3A_30 = vector.load %arg5[%get3A_28, %get3A_29] : memref<1x128xf32, #tpu.memory_space<vmem>>, vector<1x128xf32>
    %add3A_31 = vector.broadcast %get3A_30 : vector<1x128xf32> to vector<1000x128xf32>
    %add3A_32 = arith.addf %mul3A_27, %add3A_31 : vector<1000x128xf32>
    %max3A = arith.constant 0.000000e+00 : f32
    %max3A_33 = vector.broadcast %max3A : f32 to vector<1000x128xf32>
    %max3A_34 = arith.maximumf %add3A_32, %max3A_33 : vector<1000x128xf32>
    %swap3A = arith.constant 0 : index
    %swap3A_35 = arith.constant 0 : index
    %swap3A_36 = vector.load %arg6[%swap3A, %swap3A_35] : memref<1000x128xf32, #tpu.memory_space<vmem>>, vector<1000x128xf32>
    tpu.vector_store %arg6[%swap3A, %swap3A_35], %max3A_34 {strides = array<i32>} : memref<1000x128xf32, #tpu.memory_space<vmem>>, vector<1000x128xf32>,
    %get3A_37 = arith.constant 0 : index
    %get3A_38 = arith.constant 0 : index
    %get3A_39 = vector.load %arg4[%get3A_37, %get3A_38] : memref<128x128xf32, #tpu.memory_space<vmem>>, vector<128x128xf32>
    %dot_general3A = arith.constant dense<0.000000e+00> : vector<1000x128xf32>
    %dot_general3A_40 = tpu.matmul %max3A_34, %get3A_39, %dot_general3A {dimension_numbers = #tpu.dot_dimension_numbers<[1], [0], [0], [1], [0, 0, 1, 1], [], []>, transpose_lhs_hint = false} : vector<1000x128xf32>, vector<128x128xf32>, vector<1000x128xf32> -> vector<1000x128xf32>
    %mul3A_41 = vector.broadcast %rsqrt3A : vector<1000x1xf32> to vector<1000x128xf32>
    %mul3A_42 = arith.mulf %dot_general3A_40, %mul3A_41 : vector<1000x128xf32>
    %swap3A_43 = arith.constant 0 : index
    %swap3A_44 = arith.constant 0 : index
    %swap3A_45 = vector.load %arg7[%swap3A_43, %swap3A_44] : memref<1000x128xf32, #tpu.memory_space<vmem>>, vector<1000x128xf32>
    tpu.vector_store %arg7[%swap3A_43, %swap3A_44], %mul3A_42 {strides = array<i32>} : memref<1000x128xf32, #tpu.memory_space<vmem>>, vector<1000x128xf32>,
    return
  }
  func.func @transform_0(%arg0: i32) -> (i32, i32, i32) {
    %c0_i32 = arith.constant 0 : i32
    %c0_i32_0 = arith.constant 0 : i32
    %c0_i32_1 = arith.constant 0 : i32
    return %c0_i32, %arg0, %c0_i32_0 : i32, i32, i32
  }
  func.func @transform_1(%arg0: i32) -> (i32, i32) {
    %c0_i32 = arith.constant 0 : i32
    %c0_i32_0 = arith.constant 0 : i32
    return %arg0, %c0_i32 : i32, i32
  }
  func.func @transform_2(%arg0: i32) -> (i32, i32, i32) {
    %c0_i32 = arith.constant 0 : i32
    %c0_i32_0 = arith.constant 0 : i32
    %c0_i32_1 = arith.constant 0 : i32
    return %c0_i32, %arg0, %c0_i32_0 : i32, i32, i32
  }
  func.func @transform_3(%arg0: i32) -> (i32, i32) {
    %c0_i32 = arith.constant 0 : i32
    %c0_i32_0 = arith.constant 0 : i32
    %c0_i32_1 = arith.constant 0 : i32
    return %c0_i32, %c0_i32_0 : i32, i32
  }
  func.func @transform_4(%arg0: i32) -> (i32, i32) {
    %c0_i32 = arith.constant 0 : i32
    %c0_i32_0 = arith.constant 0 : i32
    %c0_i32_1 = arith.constant 0 : i32
    return %c0_i32, %c0_i32_0 : i32, i32
  }
  func.func @transform_5(%arg0: i32) -> (i32, i32) {
    %c0_i32 = arith.constant 0 : i32
    %c0_i32_0 = arith.constant 0 : i32
    return %arg0, %c0_i32 : i32, i32
  }
  func.func @transform_6(%arg0: i32) -> (i32, i32) {
    %c0_i32 = arith.constant 0 : i32
    %c0_i32_0 = arith.constant 0 : i32
    return %arg0, %c0_i32 : i32, i32
  }
}

module attributes {stable_mosaic.version = 14 : i64} {
  func.func @_post_body(%arg0: i32, %arg1: memref<2x1000x128xf32, #tpu.memory_space<vmem>>, %arg2: memref<1000x128xf32, #tpu.memory_space<vmem>>, %arg3: memref<2x1000x128xf32, #tpu.memory_space<vmem>>, %arg4: memref<1x128xf32, #tpu.memory_space<vmem>>, %arg5: memref<1000x128xf32, #tpu.memory_space<vmem>>) attributes {dimension_semantics = [#tpu.dimension_semantics<arbitrary>], iteration_bounds = array<i64: 10>, scalar_prefetch = 0 : i64, scratch_operands = 0 : i64, tpu.core_type = #tpu.core_type<tc>, window_params = [{transform_indices = @transform_0, window_bounds = array<i64: 2, 1000, 128>}, {transform_indices = @transform_1, window_bounds = array<i64: 1000, 128>}, {transform_indices = @transform_2, window_bounds = array<i64: 2, 1000, 128>}, {pipeline_mode = #tpu.pipeline_mode<synchronous>, transform_indices = @transform_3, window_bounds = array<i64: 1, 128>}, {transform_indices = @transform_4, window_bounds = array<i64: 1000, 128>}]} {
    %get3A = arith.constant 0 : index
    %get3A_0 = arith.constant 0 : index
    %get3A_1 = arith.constant 0 : index
    %get3A_2 = vector.load %arg3[%get3A, %get3A_0, %get3A_1] : memref<2x1000x128xf32, #tpu.memory_space<vmem>>, vector<1x1000x1xf32>
    %get3A_3 = vector.shape_cast %get3A_2 : vector<1x1000x1xf32> to vector<1000x1xf32>
    %get3A_4 = arith.constant 1 : index
    %get3A_5 = arith.constant 0 : index
    %get3A_6 = arith.constant 0 : index
    %get3A_7 = vector.load %arg3[%get3A_4, %get3A_5, %get3A_6] : memref<2x1000x128xf32, #tpu.memory_space<vmem>>, vector<1x1000x1xf32>
    %get3A_8 = vector.shape_cast %get3A_7 : vector<1x1000x1xf32> to vector<1000x1xf32>
    %add3A = arith.addf %get3A_3, %get3A_8 : vector<1000x1xf32>
    %add3A_9 = arith.constant 1.000000e+00 : f32
    %add3A_10 = vector.broadcast %add3A_9 : f32 to vector<1000x1xf32>
    %add3A_11 = arith.addf %add3A, %add3A_10 : vector<1000x1xf32>
    %rsqrt3A = math.rsqrt %add3A_11 : vector<1000x1xf32>
    %get3A_12 = arith.constant 0 : index
    %get3A_13 = arith.constant 0 : index
    %get3A_14 = arith.constant 0 : index
    %get3A_15 = vector.load %arg1[%get3A_12, %get3A_13, %get3A_14] : memref<2x1000x128xf32, #tpu.memory_space<vmem>>, vector<1x1000x128xf32>
    %get3A_16 = vector.shape_cast %get3A_15 : vector<1x1000x128xf32> to vector<1000x128xf32>
    %get3A_17 = arith.constant 1 : index
    %get3A_18 = arith.constant 0 : index
    %get3A_19 = arith.constant 0 : index
    %get3A_20 = vector.load %arg1[%get3A_17, %get3A_18, %get3A_19] : memref<2x1000x128xf32, #tpu.memory_space<vmem>>, vector<1x1000x128xf32>
    %get3A_21 = vector.shape_cast %get3A_20 : vector<1x1000x128xf32> to vector<1000x128xf32>
    %add3A_22 = arith.addf %get3A_16, %get3A_21 : vector<1000x128xf32>
    %get3A_23 = arith.constant 0 : index
    %get3A_24 = arith.constant 0 : index
    %get3A_25 = vector.load %arg2[%get3A_23, %get3A_24] : memref<1000x128xf32, #tpu.memory_space<vmem>>, vector<1000x128xf32>
    %add3A_26 = arith.addf %add3A_22, %get3A_25 : vector<1000x128xf32>
    %mul3A = vector.broadcast %rsqrt3A : vector<1000x1xf32> to vector<1000x128xf32>
    %mul3A_27 = arith.mulf %mul3A, %add3A_26 : vector<1000x128xf32>
    %get3A_28 = arith.constant 0 : index
    %get3A_29 = arith.constant 0 : index
    %get3A_30 = vector.load %arg4[%get3A_28, %get3A_29] : memref<1x128xf32, #tpu.memory_space<vmem>>, vector<1x128xf32>
    %add3A_31 = vector.broadcast %get3A_30 : vector<1x128xf32> to vector<1000x128xf32>
    %add3A_32 = arith.addf %mul3A_27, %add3A_31 : vector<1000x128xf32>
    %swap3A = arith.constant 0 : index
    %swap3A_33 = arith.constant 0 : index
    %swap3A_34 = vector.load %arg5[%swap3A, %swap3A_33] : memref<1000x128xf32, #tpu.memory_space<vmem>>, vector<1000x128xf32>
    tpu.vector_store %arg5[%swap3A, %swap3A_33], %add3A_32 {strides = array<i32>} : memref<1000x128xf32, #tpu.memory_space<vmem>>, vector<1000x128xf32>,
    return
  }
  func.func @transform_0(%arg0: i32) -> (i32, i32, i32) {
    %c0_i32 = arith.constant 0 : i32
    %c0_i32_0 = arith.constant 0 : i32
    %c0_i32_1 = arith.constant 0 : i32
    return %c0_i32, %arg0, %c0_i32_0 : i32, i32, i32
  }
  func.func @transform_1(%arg0: i32) -> (i32, i32) {
    %c0_i32 = arith.constant 0 : i32
    %c0_i32_0 = arith.constant 0 : i32
    return %arg0, %c0_i32 : i32, i32
  }
  func.func @transform_2(%arg0: i32) -> (i32, i32, i32) {
    %c0_i32 = arith.constant 0 : i32
    %c0_i32_0 = arith.constant 0 : i32
    %c0_i32_1 = arith.constant 0 : i32
    return %c0_i32, %arg0, %c0_i32_0 : i32, i32, i32
  }
  func.func @transform_3(%arg0: i32) -> (i32, i32) {
    %c0_i32 = arith.constant 0 : i32
    %c0_i32_0 = arith.constant 0 : i32
    %c0_i32_1 = arith.constant 0 : i32
    return %c0_i32, %c0_i32_0 : i32, i32
  }
  func.func @transform_4(%arg0: i32) -> (i32, i32) {
    %c0_i32 = arith.constant 0 : i32
    %c0_i32_0 = arith.constant 0 : i32
    return %arg0, %c0_i32 : i32, i32
  }
}

</mosaic_0001>

<sc_bundles>
// kernel: kernel.12.cloned.1.call-start
scs
__scs_entry_jumppad:
0x0: {  	(pc) =	sbr.rel $0x88, $3  }
0x1: {  	(tag) =	ssettag $0x0;
	lr =	simm.s32 $0x1  }
0x2: {  	[smem:$0x3F9B] =	sst lr;
	_ =	strace $0xD0000000  }
0x3: {  	_ = 	snop  }
0x4: {  	_ = 	snop  }
0x5: {  	_ = 	snop  }
0x6: {  	_ = 	snop  }
0x7: {  	_ = 	snop  }
__scs_overlays_trampoline_lowered:
0x8: {  	[smem:$0x3FAA] =	sst s0  }
0x9: {  	[smem:$0x3FAB] =	sst s1  }
0xa: {  	[smem:$0x3FAC] =	sst s2  }
0xb: {  	[smem:$0x3FAD] =	sst s3  }
0xc: {  	[smem:$0x3FAE] =	sst s4  }
0xd: {  	[smem:$0x3FAF] =	sst s5  }
0xe: {  	[smem:$0x3FB0] =	sst s6  }
0xf: {  	[smem:$0x3FB1] =	sst s7  }
0x10: {  	[smem:$0x3FB2] =	sst s8  }
0x11: {  	[smem:$0x3FB3] =	sst s9;
	s0 =	simm.s32 @!p0 $0x0  }
0x12: {  	s1 =	sld [smem:$0x3F99];
	s0 =	simm.s32 @p0 $0x1  }
0x13: {  	[smem:$0x3FB4] =	sst s0;
	s0 =	simm.s32 @!p1 $0x0  }
0x14: {  	s2 =	sld [smem:$0x3F98];
	s0 =	simm.s32 @p1 $0x1  }
0x15: {  	[smem:$0x3FB5] =	sst s0;
	s0 =	simm.s32 @!p2 $0x0  }
0x16: {  	s3 =	sld [smem:$0x3FDB];
	s0 =	simm.s32 @p2 $0x1  }
0x17: {  	s4 =	simm.s32 $0x1BF5;
	[smem:$0x3FB7] =	sst s0  }
0x18: {  	s0 =	sld [smem:$0x3F9A];
	_ =	swait.ge [sflag:s4], $0x0  }
0x19: {  	s7 =	sld [smem:$0x3F9B]  }
0x1a: {  	s8 =	sadd.s32 $0xFFFFE003, lr  }
0x1b: {  	s9 =	sadd.s32 $0xFFFFFEF7, lr;
	s5 =	simm.s32 $0xFFFFFFFF;
	p2 =	slt.u32 s8, $0xFFFFF086  }
0x1c: {  	p1 =	slt.u32 s9, $0xF7A;
	s5 =	simm.s32 @!p2 $0x0  }
0x1d: {  	s5 =	simm.s32 @p1 $0x1;
	p0 =	seq.s32 s7, s2  }
0x1e: {  	s7 =	smul.u32 @!p0 $0xF7A, s2;
	p2 =	seq.s32 @!p0 s5, $0x0  }
0x1f: {  	s9 =	smul.u32 $0xF7A, s1;
	s8 =	simm.s32 @!p0 $0x1BF5;
	p2 =	por !p2, p0  }
0x20: {  	[sflag:s8] =	ssyncset.s32 @!p0 $0xFFFFF086;
	s6 =	sadd.s32 @!p0 s3, s7;
	s7 =	simm.s32 @!p0 $0x108  }
0x21: {  	s3 =	sadd.s32 s3, s9;
	s6 =	sadd.s32 @!p0 $0x88, s6;
	s7 =	simm.s32 @p2 $0x1082  }
0x22: {  	[simem:s7], [sflag:s8] =	dma.local @!p0 [hbm:s6], $0xF7A  }
0x23: {  	s9 =	sor.u32 $0xD0000000, s2;
	s6 =	simm.s32 $0x108;
	_ =	swait.ge @!p0 [sflag:s8], $0x0  }
0x24: {  	s3 =	sadd.s32 $0x88, s3;
	s6 =	simm.s32 @!p1 $0x1082;
	[sflag:s4] =	ssyncset.s32 $0xFFFFF086  }
0x25: {  	[simem:s6], [sflag:s4] =	dma.local [hbm:s3], $0xF7A  }
0x26: {  	[smem:$0x3F9B] =	sst s1;
	(tag) =	ssettag s2;
	_ =	strace s9  }
0x27: {  	s1 =	sld [smem:$0x3FAB]  }
0x28: {  	s2 =	sld [smem:$0x3FAC]  }
0x29: {  	s4 =	sld [smem:$0x3FAE]  }
0x2a: {  	p0 =	seq.s32 s5, $0x0;
	s5 =	sld [smem:$0x3FAF]  }
0x2b: {  	s6 =	sld [smem:$0x3FB0]  }
0x2c: {  	s7 =	sld [smem:$0x3FB1]  }
0x2d: {  	s3 =	simm.s32 $0x108;
	s8 =	sld [smem:$0x3FB2]  }
0x2e: {  	s3 =	simm.s32 @!p0 $0x1082;
	s9 =	sld [smem:$0x3FB3]  }
0x2f: {  	lr =	sadd.s32 s0, s3;
	s0 =	sld [smem:$0x3FAA]  }
0x30: {  	s3 =	sld [smem:$0x3FAD]  }
0x31: {  	[smem:$0x3FB6] =	sst s10  }
0x32: {  	s10 =	sld [smem:$0x3FB4];
	_ =	sdelay $0x3  }
0x33: {  	p0 =	seq.s32 s10, $0x1;
	s10 =	sld [smem:$0x3FB6];
	_ =	sdelay $0x3  }
0x34: {  	[smem:$0x3FB6] =	sst s10  }
0x35: {  	s10 =	sld [smem:$0x3FB5];
	_ =	sdelay $0x3  }
0x36: {  	p1 =	seq.s32 s10, $0x1;
	s10 =	sld [smem:$0x3FB6];
	_ =	sdelay $0x3  }
0x37: {  	[smem:$0x3FB6] =	sst s10  }
0x38: {  	s10 =	sld [smem:$0x3FB7]  }
0x39: {  	_ = 	snop;
	(pc) =	sbr.ind lr, $3  }
0x3a: {  	_ = 	snop  }
0x3b: {  	_ = 	snop  }
0x3c: {  	p2 =	seq.s32 s10, $0x1;
	s10 =	sld [smem:$0x3FB6]  }
0x3d: {  	_ =	shalt  }
0x3e: {  	_ =	shalt  }
0x3f: {  	_ =	shalt  }
0x40: {  	_ =	shalt  }
0x41: {  	_ =	shalt  }
0x42: {  	_ =	shalt  }
0x43: {  	_ =	shalt  }
0x44: {  	_ =	shalt  }
0x45: {  	_ =	shalt  }
0x46: {  	_ =	shalt  }
0x47: {  	_ =	shalt  }
0x48: {  	_ =	shalt  }
0x49: {  	_ =	shalt  }
0x4a: {  	_ =	shalt  }
0x4b: {  	_ =	shalt  }
0x4c: {  	_ =	shalt  }
0x4d: {  	_ =	shalt  }
0x4e: {  	_ =	shalt  }
0x4f: {  	_ =	shalt  }
0x50: {  	_ =	shalt  }
0x51: {  	_ =	shalt  }
0x52: {  	_ =	shalt  }
0x53: {  	_ =	shalt  }
0x54: {  	_ =	shalt  }
0x55: {  	_ =	shalt  }
0x56: {  	_ =	shalt  }
0x57: {  	_ =	shalt  }
0x58: {  	_ =	shalt  }
0x59: {  	_ =	shalt  }
0x5a: {  	_ =	shalt  }
0x5b: {  	_ =	shalt  }
0x5c: {  	_ =	shalt  }
0x5d: {  	_ =	shalt  }
0x5e: {  	_ =	shalt  }
0x5f: {  	_ =	shalt  }
0x60: {  	_ =	shalt  }
0x61: {  	_ =	shalt  }
0x62: {  	_ =	shalt  }
0x63: {  	_ =	shalt  }
0x64: {  	_ =	shalt  }
0x65: {  	_ =	shalt  }
0x66: {  	_ =	shalt  }
0x67: {  	_ =	shalt  }
0x68: {  	_ =	shalt  }
0x69: {  	_ =	shalt  }
0x6a: {  	_ =	shalt  }
0x6b: {  	_ =	shalt  }
0x6c: {  	_ =	shalt  }
0x6d: {  	_ =	shalt  }
0x6e: {  	_ =	shalt  }
0x6f: {  	_ =	shalt  }
0x70: {  	_ =	shalt  }
0x71: {  	_ =	shalt  }
0x72: {  	_ =	shalt  }
0x73: {  	_ =	shalt  }
0x74: {  	_ =	shalt  }
0x75: {  	_ =	shalt  }
0x76: {  	_ =	shalt  }
0x77: {  	_ =	shalt  }
0x78: {  	_ =	shalt  }
0x79: {  	_ =	shalt  }
0x7a: {  	_ =	shalt  }
0x7b: {  	_ =	shalt  }
0x7c: {  	_ =	shalt  }
0x7d: {  	_ =	shalt  }
0x7e: {  	_ =	shalt  }
0x7f: {  	_ =	shalt  }
0x80: {  	_ =	shalt  }
0x81: {  	_ =	shalt  }
0x82: {  	_ =	shalt  }
0x83: {  	_ =	shalt  }
0x84: {  	_ =	shalt  }
0x85: {  	_ =	shalt  }
0x86: {  	_ =	shalt  }
0x87: {  	_ =	shalt  }
.Lfunc_end0:
.L_simem_size_0:
called_computation.1_lowered:
.L_overlay_start_0:
0x88: {  	s2 =	sld [smem:$0x3FD9]  }
0x89: {  	s3 =	sld [smem:$0x3FFE];
	_ =	sdelay $0x1  }
0x8a: {  	s1 =	srdreg.scid  }
0x8b: {  	s0 =	sand.u32 $0x1, s1  }
0x8c: {  	s14 =	sshll.u32 s0, $0xA;
	s2 =	sadd.s32 s3, s2  }
0x8d: {  	s2 =	sadd.s32 s2, s14  }
0x8e: {  	[smem:$0x3FC2] =	sst s2  }
0x8f: {  	_ = 	snop  }
0x90: {  	s2 =	sld [smem:$0x3FD0];
	_ =	sdelay $0x2  }
0x91: {  	s15 =	simm.s32 $0xA;
	s4 =	simm.s32 $0x10  }
0x92: {  	[smem:s4], [sflag:s15] =	dma.local [hbm:s2], $0x1  }
0x93: {  	_ =	swait.eq [sflag:s15], $0x1  }
0x94: {  	[sflag:s15] =	ssyncset.done $0x0  }
0x95: {  	[sflag:s15] =	ssyncadd.s32 $0xFFFFFFFF  }
0x96: {  	s16 =	sld [smem:$0x10];
	(tm) =	ssettm $0x1  }
0x97: {  	s17 =	sld [smem:$0x3FFB];
	_ =	sdelay $0x3  }
0x98: {  	_ =	strace s17  }
0x99: {  	s3 =	sld [smem:$0x3FFC];
	_ =	sdelay $0x3  }
0x9a: {  	_ =	strace s3  }
0x9b: {  	s3 =	sld [smem:$0x3FFD];
	_ =	sdelay $0x3  }
0x9c: {  	_ =	strace s3  }
0x9d: {  	_ =	strace $0x8FFFFFFF  }
0x9e: {  	s18 =	sld [smem:$0x3FDB];
	_ =	sdelay $0x1  }
0x9f: {  	s19 =	simm.s32 $_scs_section_size  }
0xa0: {  	s5 =	simm.s32 $_size__tile_overlayer_lowered;
	s6 =	simm.s32 $_tile_overlayer_lowered  }
0xa1: {  	s22 =	simm.s32 $0x1BFF;
	s21 =	sshll.u32 s6, $0x1;
	s3 =	sadd.s32 s19, s18  }
0xa2: {  	s7 =	simm.s32 $0x0;
	s20 =	sshll.u32 s5, $0x1;
	s5 =	sadd.s32 s21, s3  }
0xa3: {  	[timem:s7], [sflag:s22] =	dma.local [hbm:s5], s20  }
0xa4: {  	_ =	swait.ge [sflag:s22], s20  }
0xa5: {  	s4 =	ssub.s32 $0x0, s20;
	[sflag:s22] =	ssyncset.done $0x0  }
0xa6: {  	[sflag:s22] =	ssyncadd.s32 s4;
	_ =	sdelay $0x1  }
0xa7: {  	s23 =	simm.s32 $0x1B8B  }
0xa8: {  	_ =	swait.ge [sflag:s23], $0x1  }
0xa9: {  	[sflag:s23] =	ssyncset.done $0x0  }
0xaa: {  	s25 =	simm.s32 $0x1B8E;
	s24 =	sld [smem:$0x3FFE];
	[sflag:s23] =	ssyncadd.s32 $0xFFFFFFFF  }
0xab: {  	s26 =	simm.s32 $execute0_lowered;
	[smem:$0x3FD2] =	sst s25  }
0xac: {  	s5 =	sshll.u32 s26, $0x1;
	_ =	strace $0x80000049;
	[dreg:$0x1] =	wrdreg $0xFFFFFFFF  }
0xad: {  	s28 =	simm.s32 $_size_execute0_lowered;
	s3 =	sadd.s32 s3, s5;
	[dreg:$0x0] =	wrdreg $0x0  }
0xae: {  	s5 =	sshll.u32 s28, $0x1;
	[dreg:$0x2] =	wrdreg s3  }
0xaf: {  	[dreg:$0x3] =	wrdreg s5  }
0xb0: {  	[dreg:$0x4] =	wrdreg $0xC0  }
0xb1: {  	_ =	task [dreg:s7], $0x5FFFF  }
0xb2: {  	[dreg:$0x1] =	wrdreg $0xFFFFFFFF  }
0xb3: {  	[dreg:$0x0] =	wrdreg $0x60  }
0xb4: {  	[dreg:$0x2] =	wrdreg s16  }
0xb5: {  	[dreg:$0x3] =	wrdreg s24  }
0xb6: {  	[dreg:$0x4] =	wrdreg $0xA8000  }
0xb7: {  	[dreg:$0x5] =	wrdreg $0x9  }
0xb8: {  	_ =	task.clear_ibuf [dreg:s7], $0x6FFFF;
	_ =	strace $0x90000049  }
0xb9: {  	s29 =	simm.s32 $0x9;
	_ =	strace $0x8000004B  }
0xba: {  	_ =	swait.ge [sflag:s29], $0x1  }
0xbb: {  	[sflag:s29] =	ssyncadd.s32 $0xFFFFFFFF  }
0xbc: {  	_ =	strace $0x9000004B  }
0xbd: {  	_ =	sfence  }
0xbe: {  	s30 =	sld [smem:$0x0];
	_ =	sdelay $0x2  }
0xbf: {  	s31 =	sshll.u32 s1, $0xD;
	s1 =	sshrl.u32 s1, $0x2  }
0xc0: {  	s3 =	sand.u32 $0x4000, s31;
	s1 =	sadd.s32 s1, s30  }
0xc1: {  	s0 =	sor.u32 s3, s0;
	s1 =	sshll.u32 s1, $0x11  }
0xc2: {  	s0 =	sor.u32 s1, s0  }
0xc3: {  	s0 =	sadd.s32 $0x8F2B, s0  }
0xc4: {  	[sflag:s0] =	ssyncadd.remote.s32 $0x1  }
0xc5: {  	_ =	sfence.sel $0xFFFF  }
0xc6: {  	[dreg:$0x0] =	wrdreg $0xFFFFFFFF;
	(pc) =	sbr.abs _section_cstart, $3  }
0xc7: {  	[dreg:$0x1] =	wrdreg $0xFFFFFFFF  }
0xc8: {  	_ =	task.clear_ibuf [dreg:s7], $0x2FFFF;
	_ =	strace $0x9FFFFFFF  }
0xc9: {  	(tm) =	ssettm $0x7FFFFFFF  }
tec
execute0_lowered:
.L_overlay_start_1:
0x0: {  	(tag) =	ssettag $0x1  }
0x1: {  	s1 =	rddreg [dreg:$0x0]  }
0x2: {  	s6 =	rddreg [dreg:$0x1]  }
0x3: {  	s2 =	rddreg [dreg:$0x2];
	s3 =	srdreg.scid  }
0x4: {  	s0 =	rddreg [dreg:$0x3];
	s4 =	simm.s32 $0x0;
	s15 =	simm.s32 $0x1400  }
0x5: {  	s16 =	simm.s32 $0x7D;
	s17 =	simm.s32 $0x2800;
	s18 =	simm.s32 $0x6800  }
0x6: {  	s19 =	simm.s32 $0x1;
	s20 =	simm.s32 $0x2;
	s21 =	simm.s32 $0x1380  }
0x7: {  	s22 =	simm.s32 $0x2700;
	s5 =	sand.u32 $0x1, s3;
	s3 =	stileid.u32  }
0x8: {  	[smem:$0x7FF] =	sst s4;
	s9 =	sadd.s32 $0x5F200, s6;
	s7 =	smul.u32 $0x140000, s5  }
0x9: {  	s10 =	sadd.s32 $0x2A00, s6;
	s8 =	smul.u32 $0x14000, s3;
	_ =	strace $0x8000004A  }
0xa: {  	s23 =	sshll.u32 s5, $0x4;
	s11 =	ssub.s32 $0x2, s5;
	s25 =	smul.u32 $0x50000, s3  }
0xb: {  	s5 =	sadd.s32 $0xCA00, s6;
	s28 =	sshll.u32 s3, $0x6;
	s24 =	sor.u32 s3, s23  }
0xc: {  	s12 =	sshrl.u32 s11, $0x1;
	s23 =	simm.s32 $0x2780;
	s7 =	sadd.s32 s8, s7  }
0xd: {  	s13 =	smul.u32 $0x2800, s24;
	s12 =	ssub.s32 s11, s12;
	s26 =	sshrl.u32 s25, $0x2  }
0xe: {  	s24 =	simm.s32 $0x0;
	s7 =	sshrl.u32 s7, $0x3;
	s30 =	sadd.s32 s26, s2  }
0xf: {  	s12 =	smax.u32 s12, $0x1;
	s14 =	sadd.s32 s7, s6;
	s29 =	sshrl.u32 s13, $0x3  }
0x10: {  	s6 =	sor.u32 $0x1C03, s28;
	s13 =	sshrl.u32 s30, $0x3;
	s31 =	sadd.s32 $0x280, s29  }
0x11: {  	s7 =	sadd.s32 s9, s29;
	s8 =	sadd.s32 s10, s29;
	s11 =	sadd.s32 $0x69200, s14  }
0x12: {  	s14 =	simm.s32 $0x3;
	s9 =	sadd.s32 s9, s31;
	s10 =	sadd.s32 s10, s31  }
.LBB2_1:
0x13: {  	[spmem:s13], [sflag:s6] =	dma.local [hbm:s5], $0x2800  }
0x14: {  	_ =	swait.ge [sflag:s14], $0x2800  }
0x15: {  	[sflag:s14] =	ssyncset.done $0x0  }
0x16: {  	[sflag:s14] =	ssyncadd.s32 $0xFFFFD800  }
0x17: {  	[bflag:$0x0] =	sbarrier.arrive $0xFFFF  }
0x18: {  	[tilespmem:s4], [sflag:$0x3] =	stream.linear.gather [hbm4b:s7+s4], $0x1400, $0x38;
	[tilespmem:$0x1E800] =	vst v63  }
0x19: {  	_ =	swait.ge [sflag:s14], $0x1400  }
0x1a: {  	[sflag:s14] =	ssyncset.done $0x0  }
0x1b: {  	[sflag:s14] =	ssyncadd.s32 $0xFFFFEC00  }
0x1c: {  	[tilespmem:s15], [sflag:$0x3] =	stream.linear.gather [hbm4b:s8+s4], $0x1400, $0x38;
	[tilespmem:$0x1E800] =	vst v63  }
0x1d: {  	_ =	swait.ge [sflag:s14], $0x1400  }
0x1e: {  	[sflag:s14] =	ssyncset.done $0x0  }
0x1f: {  	[sflag:s14] =	ssyncadd.s32 $0xFFFFEC00  }
0x20: {  	[tilespmem:s17], [sflag:$0x1] =	stream.indirect.gather [hbm4b:s1+s16], $0x80, s4, s16, $0xb8;
	[tilespmem:$0x1E800] =	vst v63  }
0x21: {  	s25 =	simm.s32 $0x80  }
0x22: {  	[tilespmem:s18], [sflag:$0x2] =	stream.indirect.gather [hbm4b:s1+s16], $0x80, s25, s16, $0xb8;
	[tilespmem:$0x1E800] =	vst v63  }
0x23: {  	_ =	swait.ge [sflag:s19], $0x3E80  }
0x24: {  	[sflag:s19] =	ssyncset.done $0x0  }
0x25: {  	s29 =	simm.s32 $0x1400;
	[sflag:s19] =	ssyncadd.s32 $0xFFFFC180  }
0x26: {  	[spmem:s2] =	stream.indirect.scatter.add.f32 [tilespmem:s17], [sflag:$0x3], $0x80, s29, s16, $0xb8;
	[tilespmem:$0x1E800] =	vst v63  }
0x27: {  	_ =	swait.ge [sflag:s14], $0x3E80  }
0x28: {  	[sflag:s14] =	ssyncset.done $0x0  }
0x29: {  	s30 =	simm.s32 $0x100;
	[sflag:s14] =	ssyncadd.s32 $0xFFFFC180  }
0x2a: {  	[tilespmem:s17], [sflag:$0x1] =	stream.indirect.gather [hbm4b:s1+s16], $0x80, s30, s16, $0xb8;
	[tilespmem:$0x1E800] =	vst v63  }
0x2b: {  	_ =	swait.ge [sflag:s20], $0x3E80  }
0x2c: {  	[sflag:s20] =	ssyncset.done $0x0  }
0x2d: {  	s31 =	simm.s32 $0x1480;
	[sflag:s20] =	ssyncadd.s32 $0xFFFFC180  }
0x2e: {  	[spmem:s2] =	stream.indirect.scatter.add.f32 [tilespmem:s18], [sflag:$0x3], $0x80, s31, s16, $0xb8;
	[tilespmem:$0x1E800] =	vst v63  }
0x2f: {  	_ =	swait.ge [sflag:s14], $0x3E80  }
0x30: {  	s26 =	simm.s32 $0x800;
	s25 =	simm.s32 $0x100;
	[sflag:s14] =	ssyncset.done $0x0  }
.LBB2_2:
0x31: {  	s28 =	sadd.s32 $0x80, s25  }
0x32: {  	[sflag:s14] =	ssyncadd.s32 $0xFFFFC180;
	s29 =	smov.u32 s26;
	s30 =	sadd.s32 $0x400, s26  }
0x33: {  	[tilespmem:s18], [sflag:$0x2] =	stream.indirect.gather [hbm4b:s1+s16], $0x80, s28, s16, $0xb8;
	[tilespmem:$0x1E800] =	vst v63  }
0x34: {  	p0 =	sne.s32 s26, $0x4800;
	_ =	swait.ge [sflag:s19], $0x3E80  }
0x35: {  	[sflag:s19] =	ssyncset.done $0x0  }
0x36: {  	s26 =	sadd.s32 $0x1400, s25;
	[sflag:s19] =	ssyncadd.s32 $0xFFFFC180  }
0x37: {  	[spmem:s2] =	stream.indirect.scatter.add.f32 [tilespmem:s17], [sflag:$0x3], $0x80, s26, s16, $0xb8;
	[tilespmem:$0x1E800] =	vst v63  }
0x38: {  	_ =	swait.ge [sflag:s14], $0x3E80  }
0x39: {  	[sflag:s14] =	ssyncset.done $0x0  }
0x3a: {  	s26 =	sadd.s32 $0x100, s25;
	[sflag:s14] =	ssyncadd.s32 $0xFFFFC180  }
0x3b: {  	[tilespmem:s17], [sflag:$0x1] =	stream.indirect.gather [hbm4b:s1+s16], $0x80, s26, s16, $0xb8;
	[tilespmem:$0x1E800] =	vst v63  }
0x3c: {  	_ =	swait.ge [sflag:s20], $0x3E80  }
.Ltmp0:
0x3d: {  	[sflag:s20] =	ssyncset.done $0x0;
	(pc) =	sbr.rel @p0 .LBB2_2-.Ltmp0, $4  }
0x3e: {  	s25 =	sadd.s32 $0x1480, s25;
	[sflag:s20] =	ssyncadd.s32 $0xFFFFC180  }
0x3f: {  	[spmem:s2] =	stream.indirect.scatter.add.f32 [tilespmem:s18], [sflag:$0x3], $0x80, s25, s16, $0xb8;
	[tilespmem:$0x1E800] =	vst v63  }
0x40: {  	_ =	swait.ge [sflag:s14], $0x3E80  }
0x41: {  	s26 =	smov.u32 s30;
	s25 =	sshra.s32 s29, $0x2;
	[sflag:s14] =	ssyncset.done $0x0  }
0x42: {  	s26 =	sadd.s32 $0x80, s25;
	[sflag:s14] =	ssyncadd.s32 $0xFFFFC180  }
0x43: {  	[tilespmem:s18], [sflag:$0x2] =	stream.indirect.gather [hbm4b:s1+s16], $0x80, s26, s16, $0xb8;
	[tilespmem:$0x1E800] =	vst v63  }
0x44: {  	_ =	swait.ge [sflag:s19], $0x3E80  }
0x45: {  	[sflag:s19] =	ssyncset.done $0x0  }
0x46: {  	s29 =	sadd.s32 $0x1400, s25;
	[sflag:s19] =	ssyncadd.s32 $0xFFFFC180  }
0x47: {  	[spmem:s2] =	stream.indirect.scatter.add.f32 [tilespmem:s17], [sflag:$0x3], $0x80, s29, s16, $0xb8;
	[tilespmem:$0x1E800] =	vst v63  }
0x48: {  	_ =	swait.ge [sflag:s14], $0x3E80  }
0x49: {  	[sflag:s14] =	ssyncset.done $0x0  }
0x4a: {  	s30 =	sadd.s32 $0x100, s25;
	[sflag:s14] =	ssyncadd.s32 $0xFFFFC180  }
0x4b: {  	[tilespmem:s17], [sflag:$0x1] =	stream.indirect.gather [hbm4b:s1+s16], $0x80, s30, s16, $0xb8;
	[tilespmem:$0x1E800] =	vst v63  }
0x4c: {  	_ =	swait.ge [sflag:s20], $0x3E80  }
0x4d: {  	[sflag:s20] =	ssyncset.done $0x0  }
0x4e: {  	s31 =	sadd.s32 $0x1480, s25;
	[sflag:s20] =	ssyncadd.s32 $0xFFFFC180  }
0x4f: {  	[spmem:s2] =	stream.indirect.scatter.add.f32 [tilespmem:s18], [sflag:$0x3], $0x80, s31, s16, $0xb8;
	[tilespmem:$0x1E800] =	vst v63  }
0x50: {  	_ =	swait.ge [sflag:s14], $0x3E80  }
0x51: {  	[sflag:s14] =	ssyncset.done $0x0  }
0x52: {  	[sflag:s14] =	ssyncadd.s32 $0xFFFFC180  }
0x53: {  	[tilespmem:s18], [sflag:$0x2] =	stream.indirect.gather [hbm4b:s1+s16], $0x80, s21, s16, $0xb8;
	[tilespmem:$0x1E800] =	vst v63  }
0x54: {  	_ =	swait.ge [sflag:s19], $0x3E80  }
0x55: {  	[sflag:s19] =	ssyncset.done $0x0  }
0x56: {  	[sflag:s19] =	ssyncadd.s32 $0xFFFFC180  }
0x57: {  	[spmem:s2] =	stream.indirect.scatter.add.f32 [tilespmem:s17], [sflag:$0x3], $0x80, s22, s16, $0xb8;
	[tilespmem:$0x1E800] =	vst v63  }
0x58: {  	_ =	swait.ge [sflag:s14], $0x3E80  }
0x59: {  	[sflag:s14] =	ssyncset.done $0x0  }
0x5a: {  	[sflag:s14] =	ssyncadd.s32 $0xFFFFC180  }
0x5b: {  	[tilespmem:s17], [sflag:$0x1] =	stream.indirect.gather [hbm4b:s1+s16], $0x80, s21, s16, $0xb8;
	[tilespmem:$0x1E800] =	vst v63  }
0x5c: {  	_ =	swait.ge [sflag:s20], $0x3E80  }
0x5d: {  	[sflag:s20] =	ssyncset.done $0x0  }
0x5e: {  	[sflag:s20] =	ssyncadd.s32 $0xFFFFC180  }
0x5f: {  	[spmem:s2] =	stream.indirect.scatter.add.f32 [tilespmem:s18], [sflag:$0x3], $0x80, s23, s16, $0xb8;
	[tilespmem:$0x1E800] =	vst v63  }
0x60: {  	_ =	swait.ge [sflag:s14], $0x3E80  }
0x61: {  	[sflag:s14] =	ssyncset.done $0x0  }
0x62: {  	[sflag:s14] =	ssyncadd.s32 $0xFFFFC180  }
0x63: {  	_ =	swait.ge [sflag:s19], $0x3E80  }
0x64: {  	[sflag:s19] =	ssyncset.done $0x0  }
0x65: {  	s26 =	simm.s32 $0x0;
	[sflag:s19] =	ssyncadd.s32 $0xFFFFC180  }
0x66: {  	[tilespmem:s26], [sflag:$0x3] =	stream.linear.gather [hbm4b:s9+s26], $0x1400, $0x38;
	[tilespmem:$0x1E800] =	vst v63  }
0x67: {  	_ =	swait.ge [sflag:s14], $0x1400  }
0x68: {  	[sflag:s14] =	ssyncset.done $0x0  }
0x69: {  	[sflag:s14] =	ssyncadd.s32 $0xFFFFEC00  }
0x6a: {  	[tilespmem:s15], [sflag:$0x3] =	stream.linear.gather [hbm4b:s10+s26], $0x1400, $0x38;
	[tilespmem:$0x1E800] =	vst v63  }
0x6b: {  	_ =	swait.ge [sflag:s14], $0x1400  }
0x6c: {  	[sflag:s14] =	ssyncset.done $0x0  }
0x6d: {  	[sflag:s14] =	ssyncadd.s32 $0xFFFFEC00  }
0x6e: {  	[tilespmem:s17], [sflag:$0x1] =	stream.indirect.gather [hbm4b:s1+s16], $0x80, s26, s16, $0xb8;
	[tilespmem:$0x1E800] =	vst v63  }
0x6f: {  	s28 =	simm.s32 $0x80  }
0x70: {  	[tilespmem:s18], [sflag:$0x2] =	stream.indirect.gather [hbm4b:s1+s16], $0x80, s28, s16, $0xb8;
	[tilespmem:$0x1E800] =	vst v63  }
0x71: {  	_ =	swait.ge [sflag:s19], $0x3E80  }
0x72: {  	[sflag:s19] =	ssyncset.done $0x0  }
0x73: {  	s29 =	simm.s32 $0x1400;
	[sflag:s19] =	ssyncadd.s32 $0xFFFFC180  }
0x74: {  	[spmem:s2] =	stream.indirect.scatter.add.f32 [tilespmem:s17], [sflag:$0x3], $0x80, s29, s16, $0xb8;
	[tilespmem:$0x1E800] =	vst v63  }
0x75: {  	_ =	swait.ge [sflag:s14], $0x3E80  }
0x76: {  	[sflag:s14] =	ssyncset.done $0x0  }
0x77: {  	s30 =	simm.s32 $0x100;
	[sflag:s14] =	ssyncadd.s32 $0xFFFFC180  }
0x78: {  	[tilespmem:s17], [sflag:$0x1] =	stream.indirect.gather [hbm4b:s1+s16], $0x80, s30, s16, $0xb8;
	[tilespmem:$0x1E800] =	vst v63  }
0x79: {  	_ =	swait.ge [sflag:s20], $0x3E80  }
0x7a: {  	[sflag:s20] =	ssyncset.done $0x0  }
0x7b: {  	s31 =	simm.s32 $0x1480;
	[sflag:s20] =	ssyncadd.s32 $0xFFFFC180  }
0x7c: {  	[spmem:s2] =	stream.indirect.scatter.add.f32 [tilespmem:s18], [sflag:$0x3], $0x80, s31, s16, $0xb8;
	[tilespmem:$0x1E800] =	vst v63  }
0x7d: {  	_ =	swait.ge [sflag:s14], $0x3E80  }
0x7e: {  	s25 =	simm.s32 $0x100;
	s26 =	simm.s32 $0x800;
	[sflag:s14] =	ssyncset.done $0x0  }
.LBB2_4:
0x7f: {  	s28 =	sadd.s32 $0x80, s25  }
0x80: {  	[sflag:s14] =	ssyncadd.s32 $0xFFFFC180;
	s29 =	smov.u32 s26;
	s30 =	sadd.s32 $0x400, s26  }
0x81: {  	[tilespmem:s18], [sflag:$0x2] =	stream.indirect.gather [hbm4b:s1+s16], $0x80, s28, s16, $0xb8;
	[tilespmem:$0x1E800] =	vst v63  }
0x82: {  	p0 =	sne.s32 s26, $0x4800;
	_ =	swait.ge [sflag:s19], $0x3E80  }
0x83: {  	[sflag:s19] =	ssyncset.done $0x0  }
0x84: {  	s26 =	sadd.s32 $0x1400, s25;
	[sflag:s19] =	ssyncadd.s32 $0xFFFFC180  }
0x85: {  	[spmem:s2] =	stream.indirect.scatter.add.f32 [tilespmem:s17], [sflag:$0x3], $0x80, s26, s16, $0xb8;
	[tilespmem:$0x1E800] =	vst v63  }
0x86: {  	_ =	swait.ge [sflag:s14], $0x3E80  }
0x87: {  	[sflag:s14] =	ssyncset.done $0x0  }
0x88: {  	s26 =	sadd.s32 $0x100, s25;
	[sflag:s14] =	ssyncadd.s32 $0xFFFFC180  }
0x89: {  	[tilespmem:s17], [sflag:$0x1] =	stream.indirect.gather [hbm4b:s1+s16], $0x80, s26, s16, $0xb8;
	[tilespmem:$0x1E800] =	vst v63  }
0x8a: {  	_ =	swait.ge [sflag:s20], $0x3E80  }
.Ltmp1:
0x8b: {  	[sflag:s20] =	ssyncset.done $0x0;
	(pc) =	sbr.rel @p0 .LBB2_4-.Ltmp1, $4  }
0x8c: {  	s25 =	sadd.s32 $0x1480, s25;
	[sflag:s20] =	ssyncadd.s32 $0xFFFFC180  }
0x8d: {  	[spmem:s2] =	stream.indirect.scatter.add.f32 [tilespmem:s18], [sflag:$0x3], $0x80, s25, s16, $0xb8;
	[tilespmem:$0x1E800] =	vst v63  }
0x8e: {  	_ =	swait.ge [sflag:s14], $0x3E80  }
0x8f: {  	s26 =	smov.u32 s30;
	s25 =	sshra.s32 s29, $0x2;
	[sflag:s14] =	ssyncset.done $0x0  }
0x90: {  	s26 =	sadd.s32 $0x80, s25;
	[sflag:s14] =	ssyncadd.s32 $0xFFFFC180  }
0x91: {  	[tilespmem:s18], [sflag:$0x2] =	stream.indirect.gather [hbm4b:s1+s16], $0x80, s26, s16, $0xb8;
	[tilespmem:$0x1E800] =	vst v63  }
0x92: {  	_ =	swait.ge [sflag:s19], $0x3E80  }
0x93: {  	[sflag:s19] =	ssyncset.done $0x0  }
0x94: {  	s29 =	sadd.s32 $0x1400, s25;
	[sflag:s19] =	ssyncadd.s32 $0xFFFFC180  }
0x95: {  	[spmem:s2] =	stream.indirect.scatter.add.f32 [tilespmem:s17], [sflag:$0x3], $0x80, s29, s16, $0xb8;
	[tilespmem:$0x1E800] =	vst v63  }
0x96: {  	_ =	swait.ge [sflag:s14], $0x3E80  }
0x97: {  	[sflag:s14] =	ssyncset.done $0x0  }
0x98: {  	s30 =	sadd.s32 $0x100, s25;
	[sflag:s14] =	ssyncadd.s32 $0xFFFFC180  }
0x99: {  	[tilespmem:s17], [sflag:$0x1] =	stream.indirect.gather [hbm4b:s1+s16], $0x80, s30, s16, $0xb8;
	[tilespmem:$0x1E800] =	vst v63  }
0x9a: {  	_ =	swait.ge [sflag:s20], $0x3E80  }
0x9b: {  	[sflag:s20] =	ssyncset.done $0x0  }
0x9c: {  	s31 =	sadd.s32 $0x1480, s25;
	[sflag:s20] =	ssyncadd.s32 $0xFFFFC180  }
0x9d: {  	[spmem:s2] =	stream.indirect.scatter.add.f32 [tilespmem:s18], [sflag:$0x3], $0x80, s31, s16, $0xb8;
	[tilespmem:$0x1E800] =	vst v63  }
0x9e: {  	_ =	swait.ge [sflag:s14], $0x3E80  }
0x9f: {  	[sflag:s14] =	ssyncset.done $0x0  }
0xa0: {  	[sflag:s14] =	ssyncadd.s32 $0xFFFFC180  }
0xa1: {  	[tilespmem:s18], [sflag:$0x2] =	stream.indirect.gather [hbm4b:s1+s16], $0x80, s21, s16, $0xb8;
	[tilespmem:$0x1E800] =	vst v63  }
0xa2: {  	_ =	swait.ge [sflag:s19], $0x3E80  }
0xa3: {  	[sflag:s19] =	ssyncset.done $0x0  }
0xa4: {  	[sflag:s19] =	ssyncadd.s32 $0xFFFFC180  }
0xa5: {  	[spmem:s2] =	stream.indirect.scatter.add.f32 [tilespmem:s17], [sflag:$0x3], $0x80, s22, s16, $0xb8;
	[tilespmem:$0x1E800] =	vst v63  }
0xa6: {  	_ =	swait.ge [sflag:s14], $0x3E80  }
0xa7: {  	[sflag:s14] =	ssyncset.done $0x0  }
0xa8: {  	[sflag:s14] =	ssyncadd.s32 $0xFFFFC180  }
0xa9: {  	[tilespmem:s17], [sflag:$0x1] =	stream.indirect.gather [hbm4b:s1+s16], $0x80, s21, s16, $0xb8;
	[tilespmem:$0x1E800] =	vst v63  }
0xaa: {  	_ =	swait.ge [sflag:s20], $0x3E80  }
0xab: {  	[sflag:s20] =	ssyncset.done $0x0  }
0xac: {  	[sflag:s20] =	ssyncadd.s32 $0xFFFFC180  }
0xad: {  	[spmem:s2] =	stream.indirect.scatter.add.f32 [tilespmem:s18], [sflag:$0x3], $0x80, s23, s16, $0xb8;
	[tilespmem:$0x1E800] =	vst v63  }
0xae: {  	_ =	swait.ge [sflag:s14], $0x3E80  }
0xaf: {  	[sflag:s14] =	ssyncset.done $0x0  }
0xb0: {  	[sflag:s14] =	ssyncadd.s32 $0xFFFFC180  }
0xb1: {  	_ =	swait.ge [sflag:s19], $0x3E80  }
0xb2: {  	s24 =	sadd.s32 $0x1, s24;
	[sflag:s19] =	ssyncset.done $0x0  }
0xb3: {  	p0 =	sne.s32 s24, s12;
	[sflag:s19] =	ssyncadd.s32 $0xFFFFC180  }
.Ltmp2:
0xb4: {  	[bflag:$0x0] =	sbarrier.arrive $0xFFFF;
	(pc) =	sbr.rel @p0 .LBB2_1-.Ltmp2, $4  }
0xb5: {  	[hbm:s11], [sflag:s6] =	dma.local [spmem:s13], $0x2800  }
0xb6: {  	_ =	swait.ge [sflag:s14], $0x2800  }
0xb7: {  	[sflag:s14] =	ssyncset.done $0x0  }
0xb8: {  	[sflag:s14] =	ssyncadd.s32 $0xFFFFD800  }
0xb9: {  	_ =	sfence.sel $0x180000  }
0xba: {  	[bflag:$0x0] =	sbarrier.arrive $0xFFFF  }
0xbb: {  	p0 =	sne.s32 s3, $0x0;
	_ =	strace $0x9000004A  }
0xbc: {  	s0 =	sadd.s32 @!p0 $0x100000, s0;
	[bflag:$0x2] =	sbarrier.arrive $0xFFFF  }
0xbd: {  	[sflag:s0] =	ssyncadd.tile.s32 @!p0 $0x1;
	_ =	shalt  }
.Lfunc_end2:
_tile_overlayer_lowered:
.L_overlay_start_2:
0xbe: {  	(tag) =	ssettag $0x2  }
0xbf: {  	s0 =	rddreg [dreg:$0x0];
	s2 =	stileid.u32  }
0xc0: {  	s1 =	rddreg [dreg:$0x1];
	p0 =	sne.s32 s2, $0x0  }
0xc1: {  	s3 =	rddreg [dreg:$0x2];
	[bflag:$0x3] =	sbarrier.arrive $0xFFFF;
	s2 =	simm.s32 @!p0 $0x1C03  }
0xc2: {  	[timem:s3], [sflag:s2] =	dma.local @!p0 [hbm:s0], s1  }
0xc3: {  	s0 =	simm.s32 @!p0 $0x3  }
0xc4: {  	_ =	swait.ge @!p0 [sflag:s0], s1  }
0xc5: {  	s1 =	ssub.s32 @!p0 $0x0, s1;
	[sflag:s0] =	ssyncset.done @!p0 $0x0  }
0xc6: {  	[sflag:s0] =	ssyncadd.s32 @!p0 s1  }
0xc7: {  	[bflag:$0x3] =	sbarrier.arrive $0xFFFF  }
0xc8: {  	_ =	shalt  }

// kernel: kernel.15.cloned.1.call-start
scs
__scs_entry_jumppad:
0x0: {  	(pc) =	sbr.rel $0x88, $3  }
0x1: {  	(tag) =	ssettag $0x0;
	lr =	simm.s32 $0x1  }
0x2: {  	[smem:$0x3F9B] =	sst lr;
	_ =	strace $0xD0000000  }
0x3: {  	_ = 	snop  }
0x4: {  	_ = 	snop  }
0x5: {  	_ = 	snop  }
0x6: {  	_ = 	snop  }
0x7: {  	_ = 	snop  }
__scs_overlays_trampoline_lowered:
0x8: {  	[smem:$0x3FAA] =	sst s0  }
0x9: {  	[smem:$0x3FAB] =	sst s1  }
0xa: {  	[smem:$0x3FAC] =	sst s2  }
0xb: {  	[smem:$0x3FAD] =	sst s3  }
0xc: {  	[smem:$0x3FAE] =	sst s4  }
0xd: {  	[smem:$0x3FAF] =	sst s5  }
0xe: {  	[smem:$0x3FB0] =	sst s6  }
0xf: {  	[smem:$0x3FB1] =	sst s7  }
0x10: {  	[smem:$0x3FB2] =	sst s8  }
0x11: {  	[smem:$0x3FB3] =	sst s9;
	s0 =	simm.s32 @!p0 $0x0  }
0x12: {  	s1 =	sld [smem:$0x3F99];
	s0 =	simm.s32 @p0 $0x1  }
0x13: {  	[smem:$0x3FB4] =	sst s0;
	s0 =	simm.s32 @!p1 $0x0  }
0x14: {  	s2 =	sld [smem:$0x3F98];
	s0 =	simm.s32 @p1 $0x1  }
0x15: {  	[smem:$0x3FB5] =	sst s0;
	s0 =	simm.s32 @!p2 $0x0  }
0x16: {  	s3 =	sld [smem:$0x3FDB];
	s0 =	simm.s32 @p2 $0x1  }
0x17: {  	s4 =	simm.s32 $0x1BF5;
	[smem:$0x3FB7] =	sst s0  }
0x18: {  	s0 =	sld [smem:$0x3F9A];
	_ =	swait.ge [sflag:s4], $0x0  }
0x19: {  	s7 =	sld [smem:$0x3F9B]  }
0x1a: {  	s8 =	sadd.s32 $0xFFFFE003, lr  }
0x1b: {  	s9 =	sadd.s32 $0xFFFFFEF7, lr;
	s5 =	simm.s32 $0xFFFFFFFF;
	p2 =	slt.u32 s8, $0xFFFFF086  }
0x1c: {  	p1 =	slt.u32 s9, $0xF7A;
	s5 =	simm.s32 @!p2 $0x0  }
0x1d: {  	s5 =	simm.s32 @p1 $0x1;
	p0 =	seq.s32 s7, s2  }
0x1e: {  	s7 =	smul.u32 @!p0 $0xF7A, s2;
	p2 =	seq.s32 @!p0 s5, $0x0  }
0x1f: {  	s9 =	smul.u32 $0xF7A, s1;
	s8 =	simm.s32 @!p0 $0x1BF5;
	p2 =	por !p2, p0  }
0x20: {  	[sflag:s8] =	ssyncset.s32 @!p0 $0xFFFFF086;
	s6 =	sadd.s32 @!p0 s3, s7;
	s7 =	simm.s32 @!p0 $0x108  }
0x21: {  	s3 =	sadd.s32 s3, s9;
	s6 =	sadd.s32 @!p0 $0x88, s6;
	s7 =	simm.s32 @p2 $0x1082  }
0x22: {  	[simem:s7], [sflag:s8] =	dma.local @!p0 [hbm:s6], $0xF7A  }
0x23: {  	s9 =	sor.u32 $0xD0000000, s2;
	s6 =	simm.s32 $0x108;
	_ =	swait.ge @!p0 [sflag:s8], $0x0  }
0x24: {  	s3 =	sadd.s32 $0x88, s3;
	s6 =	simm.s32 @!p1 $0x1082;
	[sflag:s4] =	ssyncset.s32 $0xFFFFF086  }
0x25: {  	[simem:s6], [sflag:s4] =	dma.local [hbm:s3], $0xF7A  }
0x26: {  	[smem:$0x3F9B] =	sst s1;
	(tag) =	ssettag s2;
	_ =	strace s9  }
0x27: {  	s1 =	sld [smem:$0x3FAB]  }
0x28: {  	s2 =	sld [smem:$0x3FAC]  }
0x29: {  	s4 =	sld [smem:$0x3FAE]  }
0x2a: {  	p0 =	seq.s32 s5, $0x0;
	s5 =	sld [smem:$0x3FAF]  }
0x2b: {  	s6 =	sld [smem:$0x3FB0]  }
0x2c: {  	s7 =	sld [smem:$0x3FB1]  }
0x2d: {  	s3 =	simm.s32 $0x108;
	s8 =	sld [smem:$0x3FB2]  }
0x2e: {  	s3 =	simm.s32 @!p0 $0x1082;
	s9 =	sld [smem:$0x3FB3]  }
0x2f: {  	lr =	sadd.s32 s0, s3;
	s0 =	sld [smem:$0x3FAA]  }
0x30: {  	s3 =	sld [smem:$0x3FAD]  }
0x31: {  	[smem:$0x3FB6] =	sst s10  }
0x32: {  	s10 =	sld [smem:$0x3FB4];
	_ =	sdelay $0x3  }
0x33: {  	p0 =	seq.s32 s10, $0x1;
	s10 =	sld [smem:$0x3FB6];
	_ =	sdelay $0x3  }
0x34: {  	[smem:$0x3FB6] =	sst s10  }
0x35: {  	s10 =	sld [smem:$0x3FB5];
	_ =	sdelay $0x3  }
0x36: {  	p1 =	seq.s32 s10, $0x1;
	s10 =	sld [smem:$0x3FB6];
	_ =	sdelay $0x3  }
0x37: {  	[smem:$0x3FB6] =	sst s10  }
0x38: {  	s10 =	sld [smem:$0x3FB7]  }
0x39: {  	_ = 	snop;
	(pc) =	sbr.ind lr, $3  }
0x3a: {  	_ = 	snop  }
0x3b: {  	_ = 	snop  }
0x3c: {  	p2 =	seq.s32 s10, $0x1;
	s10 =	sld [smem:$0x3FB6]  }
0x3d: {  	_ =	shalt  }
0x3e: {  	_ =	shalt  }
0x3f: {  	_ =	shalt  }
0x40: {  	_ =	shalt  }
0x41: {  	_ =	shalt  }
0x42: {  	_ =	shalt  }
0x43: {  	_ =	shalt  }
0x44: {  	_ =	shalt  }
0x45: {  	_ =	shalt  }
0x46: {  	_ =	shalt  }
0x47: {  	_ =	shalt  }
0x48: {  	_ =	shalt  }
0x49: {  	_ =	shalt  }
0x4a: {  	_ =	shalt  }
0x4b: {  	_ =	shalt  }
0x4c: {  	_ =	shalt  }
0x4d: {  	_ =	shalt  }
0x4e: {  	_ =	shalt  }
0x4f: {  	_ =	shalt  }
0x50: {  	_ =	shalt  }
0x51: {  	_ =	shalt  }
0x52: {  	_ =	shalt  }
0x53: {  	_ =	shalt  }
0x54: {  	_ =	shalt  }
0x55: {  	_ =	shalt  }
0x56: {  	_ =	shalt  }
0x57: {  	_ =	shalt  }
0x58: {  	_ =	shalt  }
0x59: {  	_ =	shalt  }
0x5a: {  	_ =	shalt  }
0x5b: {  	_ =	shalt  }
0x5c: {  	_ =	shalt  }
0x5d: {  	_ =	shalt  }
0x5e: {  	_ =	shalt  }
0x5f: {  	_ =	shalt  }
0x60: {  	_ =	shalt  }
0x61: {  	_ =	shalt  }
0x62: {  	_ =	shalt  }
0x63: {  	_ =	shalt  }
0x64: {  	_ =	shalt  }
0x65: {  	_ =	shalt  }
0x66: {  	_ =	shalt  }
0x67: {  	_ =	shalt  }
0x68: {  	_ =	shalt  }
0x69: {  	_ =	shalt  }
0x6a: {  	_ =	shalt  }
0x6b: {  	_ =	shalt  }
0x6c: {  	_ =	shalt  }
0x6d: {  	_ =	shalt  }
0x6e: {  	_ =	shalt  }
0x6f: {  	_ =	shalt  }
0x70: {  	_ =	shalt  }
0x71: {  	_ =	shalt  }
0x72: {  	_ =	shalt  }
0x73: {  	_ =	shalt  }
0x74: {  	_ =	shalt  }
0x75: {  	_ =	shalt  }
0x76: {  	_ =	shalt  }
0x77: {  	_ =	shalt  }
0x78: {  	_ =	shalt  }
0x79: {  	_ =	shalt  }
0x7a: {  	_ =	shalt  }
0x7b: {  	_ =	shalt  }
0x7c: {  	_ =	shalt  }
0x7d: {  	_ =	shalt  }
0x7e: {  	_ =	shalt  }
0x7f: {  	_ =	shalt  }
0x80: {  	_ =	shalt  }
0x81: {  	_ =	shalt  }
0x82: {  	_ =	shalt  }
0x83: {  	_ =	shalt  }
0x84: {  	_ =	shalt  }
0x85: {  	_ =	shalt  }
0x86: {  	_ =	shalt  }
0x87: {  	_ =	shalt  }
.Lfunc_end0:
.L_simem_size_0:
called_computation.2_lowered:
.L_overlay_start_0:
0x88: {  	s2 =	sld [smem:$0x3FD9]  }
0x89: {  	s3 =	sld [smem:$0x3FFE];
	_ =	sdelay $0x1  }
0x8a: {  	s1 =	srdreg.scid  }
0x8b: {  	s0 =	sand.u32 $0x1, s1  }
0x8c: {  	s14 =	sshll.u32 s0, $0xA;
	s2 =	sadd.s32 s3, s2  }
0x8d: {  	s2 =	sadd.s32 s2, s14  }
0x8e: {  	[smem:$0x3FC2] =	sst s2  }
0x8f: {  	_ = 	snop  }
0x90: {  	s2 =	sld [smem:$0x3FD0];
	_ =	sdelay $0x2  }
0x91: {  	s15 =	simm.s32 $0xA;
	s4 =	simm.s32 $0x10  }
0x92: {  	[smem:s4], [sflag:s15] =	dma.local [hbm:s2], $0x1  }
0x93: {  	_ =	swait.eq [sflag:s15], $0x1  }
0x94: {  	[sflag:s15] =	ssyncset.done $0x0  }
0x95: {  	[sflag:s15] =	ssyncadd.s32 $0xFFFFFFFF  }
0x96: {  	s16 =	sld [smem:$0x10];
	(tm) =	ssettm $0x1  }
0x97: {  	s17 =	sld [smem:$0x3FFB];
	_ =	sdelay $0x3  }
0x98: {  	_ =	strace s17  }
0x99: {  	s3 =	sld [smem:$0x3FFC];
	_ =	sdelay $0x3  }
0x9a: {  	_ =	strace s3  }
0x9b: {  	s3 =	sld [smem:$0x3FFD];
	_ =	sdelay $0x3  }
0x9c: {  	_ =	strace s3  }
0x9d: {  	_ =	strace $0x8FFFFFFF  }
0x9e: {  	s18 =	sld [smem:$0x3FDB];
	_ =	sdelay $0x1  }
0x9f: {  	s19 =	simm.s32 $_scs_section_size  }
0xa0: {  	s5 =	simm.s32 $_size__tile_overlayer_lowered;
	s6 =	simm.s32 $_tile_overlayer_lowered  }
0xa1: {  	s22 =	simm.s32 $0x1BFF;
	s21 =	sshll.u32 s6, $0x1;
	s3 =	sadd.s32 s19, s18  }
0xa2: {  	s7 =	simm.s32 $0x0;
	s20 =	sshll.u32 s5, $0x1;
	s5 =	sadd.s32 s21, s3  }
0xa3: {  	[timem:s7], [sflag:s22] =	dma.local [hbm:s5], s20  }
0xa4: {  	_ =	swait.ge [sflag:s22], s20  }
0xa5: {  	s4 =	ssub.s32 $0x0, s20;
	[sflag:s22] =	ssyncset.done $0x0  }
0xa6: {  	[sflag:s22] =	ssyncadd.s32 s4;
	_ =	sdelay $0x1  }
0xa7: {  	s23 =	simm.s32 $0x1B8B  }
0xa8: {  	_ =	swait.ge [sflag:s23], $0x1  }
0xa9: {  	[sflag:s23] =	ssyncset.done $0x0  }
0xaa: {  	s25 =	simm.s32 $0x1B8E;
	s24 =	sld [smem:$0x3FFE];
	[sflag:s23] =	ssyncadd.s32 $0xFFFFFFFF  }
0xab: {  	s26 =	simm.s32 $execute0_lowered;
	[smem:$0x3FD2] =	sst s25  }
0xac: {  	s5 =	sshll.u32 s26, $0x1;
	_ =	strace $0x8000004C;
	[dreg:$0x1] =	wrdreg $0xFFFFFFFF  }
0xad: {  	s28 =	simm.s32 $_size_execute0_lowered;
	s3 =	sadd.s32 s3, s5;
	[dreg:$0x0] =	wrdreg $0x0  }
0xae: {  	s5 =	sshll.u32 s28, $0x1;
	[dreg:$0x2] =	wrdreg s3  }
0xaf: {  	[dreg:$0x3] =	wrdreg s5  }
0xb0: {  	[dreg:$0x4] =	wrdreg $0xC0  }
0xb1: {  	_ =	task [dreg:s7], $0x5FFFF  }
0xb2: {  	[dreg:$0x1] =	wrdreg $0xFFFFFFFF  }
0xb3: {  	[dreg:$0x0] =	wrdreg $0x60  }
0xb4: {  	[dreg:$0x2] =	wrdreg s16  }
0xb5: {  	[dreg:$0x3] =	wrdreg s24  }
0xb6: {  	[dreg:$0x4] =	wrdreg $0xA8000  }
0xb7: {  	[dreg:$0x5] =	wrdreg $0x9  }
0xb8: {  	_ =	task.clear_ibuf [dreg:s7], $0x6FFFF;
	_ =	strace $0x9000004C  }
0xb9: {  	s29 =	simm.s32 $0x9;
	_ =	strace $0x8000004E  }
0xba: {  	_ =	swait.ge [sflag:s29], $0x1  }
0xbb: {  	[sflag:s29] =	ssyncadd.s32 $0xFFFFFFFF  }
0xbc: {  	_ =	strace $0x9000004E  }
0xbd: {  	_ =	sfence  }
0xbe: {  	s30 =	sld [smem:$0x0];
	_ =	sdelay $0x2  }
0xbf: {  	s31 =	sshll.u32 s1, $0xD;
	s1 =	sshrl.u32 s1, $0x2  }
0xc0: {  	s3 =	sand.u32 $0x4000, s31;
	s1 =	sadd.s32 s1, s30  }
0xc1: {  	s0 =	sor.u32 s3, s0;
	s1 =	sshll.u32 s1, $0x11  }
0xc2: {  	s0 =	sor.u32 s1, s0  }
0xc3: {  	s0 =	sadd.s32 $0x8F2B, s0  }
0xc4: {  	[sflag:s0] =	ssyncadd.remote.s32 $0x1  }
0xc5: {  	_ =	sfence.sel $0xFFFF  }
0xc6: {  	[dreg:$0x0] =	wrdreg $0xFFFFFFFF;
	(pc) =	sbr.abs _section_cstart, $3  }
0xc7: {  	[dreg:$0x1] =	wrdreg $0xFFFFFFFF  }
0xc8: {  	_ =	task.clear_ibuf [dreg:s7], $0x2FFFF;
	_ =	strace $0x9FFFFFFF  }
0xc9: {  	(tm) =	ssettm $0x7FFFFFFF  }
tec
execute0_lowered:
.L_overlay_start_1:
0x0: {  	(tag) =	ssettag $0x1  }
0x1: {  	s1 =	rddreg [dreg:$0x0]  }
0x2: {  	s6 =	rddreg [dreg:$0x1]  }
0x3: {  	s2 =	rddreg [dreg:$0x2];
	s3 =	srdreg.scid  }
0x4: {  	s0 =	rddreg [dreg:$0x3];
	s4 =	simm.s32 $0x0;
	s15 =	simm.s32 $0x1400  }
0x5: {  	s16 =	simm.s32 $0x7D;
	s17 =	simm.s32 $0x2800;
	s18 =	simm.s32 $0x6800  }
0x6: {  	s19 =	simm.s32 $0x1;
	s20 =	simm.s32 $0x2;
	s21 =	simm.s32 $0x1380  }
0x7: {  	s22 =	simm.s32 $0x2700;
	s5 =	sand.u32 $0x1, s3;
	s3 =	stileid.u32  }
0x8: {  	[smem:$0x7FF] =	sst s4;
	s9 =	sadd.s32 $0x5F200, s6;
	s7 =	smul.u32 $0x140000, s5  }
0x9: {  	s10 =	sadd.s32 $0x2A00, s6;
	s8 =	smul.u32 $0x14000, s3;
	_ =	strace $0x8000004D  }
0xa: {  	s23 =	sshll.u32 s5, $0x4;
	s11 =	ssub.s32 $0x2, s5;
	s25 =	smul.u32 $0x50000, s3  }
0xb: {  	s5 =	sadd.s32 $0xCA00, s6;
	s28 =	sshll.u32 s3, $0x6;
	s24 =	sor.u32 s3, s23  }
0xc: {  	s12 =	sshrl.u32 s11, $0x1;
	s23 =	simm.s32 $0x2780;
	s7 =	sadd.s32 s8, s7  }
0xd: {  	s13 =	smul.u32 $0x2800, s24;
	s12 =	ssub.s32 s11, s12;
	s26 =	sshrl.u32 s25, $0x2  }
0xe: {  	s24 =	simm.s32 $0x0;
	s7 =	sshrl.u32 s7, $0x3;
	s30 =	sadd.s32 s26, s2  }
0xf: {  	s12 =	smax.u32 s12, $0x1;
	s14 =	sadd.s32 s7, s6;
	s29 =	sshrl.u32 s13, $0x3  }
0x10: {  	s6 =	sor.u32 $0x1C03, s28;
	s13 =	sshrl.u32 s30, $0x3;
	s31 =	sadd.s32 $0x280, s29  }
0x11: {  	s7 =	sadd.s32 s9, s29;
	s8 =	sadd.s32 s10, s29;
	s11 =	sadd.s32 $0x69200, s14  }
0x12: {  	s14 =	simm.s32 $0x3;
	s9 =	sadd.s32 s9, s31;
	s10 =	sadd.s32 s10, s31  }
.LBB2_1:
0x13: {  	[spmem:s13], [sflag:s6] =	dma.local [hbm:s5], $0x2800  }
0x14: {  	_ =	swait.ge [sflag:s14], $0x2800  }
0x15: {  	[sflag:s14] =	ssyncset.done $0x0  }
0x16: {  	[sflag:s14] =	ssyncadd.s32 $0xFFFFD800  }
0x17: {  	[bflag:$0x0] =	sbarrier.arrive $0xFFFF  }
0x18: {  	[tilespmem:s4], [sflag:$0x3] =	stream.linear.gather [hbm4b:s7+s4], $0x1400, $0x38;
	[tilespmem:$0x1E800] =	vst v63  }
0x19: {  	_ =	swait.ge [sflag:s14], $0x1400  }
0x1a: {  	[sflag:s14] =	ssyncset.done $0x0  }
0x1b: {  	[sflag:s14] =	ssyncadd.s32 $0xFFFFEC00  }
0x1c: {  	[tilespmem:s15], [sflag:$0x3] =	stream.linear.gather [hbm4b:s8+s4], $0x1400, $0x38;
	[tilespmem:$0x1E800] =	vst v63  }
0x1d: {  	_ =	swait.ge [sflag:s14], $0x1400  }
0x1e: {  	[sflag:s14] =	ssyncset.done $0x0  }
0x1f: {  	[sflag:s14] =	ssyncadd.s32 $0xFFFFEC00  }
0x20: {  	[tilespmem:s17], [sflag:$0x1] =	stream.indirect.gather [hbm4b:s1+s16], $0x80, s4, s16, $0xb8;
	[tilespmem:$0x1E800] =	vst v63  }
0x21: {  	s25 =	simm.s32 $0x80  }
0x22: {  	[tilespmem:s18], [sflag:$0x2] =	stream.indirect.gather [hbm4b:s1+s16], $0x80, s25, s16, $0xb8;
	[tilespmem:$0x1E800] =	vst v63  }
0x23: {  	_ =	swait.ge [sflag:s19], $0x3E80  }
0x24: {  	[sflag:s19] =	ssyncset.done $0x0  }
0x25: {  	s29 =	simm.s32 $0x1400;
	[sflag:s19] =	ssyncadd.s32 $0xFFFFC180  }
0x26: {  	[spmem:s2] =	stream.indirect.scatter.add.f32 [tilespmem:s17], [sflag:$0x3], $0x80, s29, s16, $0xb8;
	[tilespmem:$0x1E800] =	vst v63  }
0x27: {  	_ =	swait.ge [sflag:s14], $0x3E80  }
0x28: {  	[sflag:s14] =	ssyncset.done $0x0  }
0x29: {  	s30 =	simm.s32 $0x100;
	[sflag:s14] =	ssyncadd.s32 $0xFFFFC180  }
0x2a: {  	[tilespmem:s17], [sflag:$0x1] =	stream.indirect.gather [hbm4b:s1+s16], $0x80, s30, s16, $0xb8;
	[tilespmem:$0x1E800] =	vst v63  }
0x2b: {  	_ =	swait.ge [sflag:s20], $0x3E80  }
0x2c: {  	[sflag:s20] =	ssyncset.done $0x0  }
0x2d: {  	s31 =	simm.s32 $0x1480;
	[sflag:s20] =	ssyncadd.s32 $0xFFFFC180  }
0x2e: {  	[spmem:s2] =	stream.indirect.scatter.add.f32 [tilespmem:s18], [sflag:$0x3], $0x80, s31, s16, $0xb8;
	[tilespmem:$0x1E800] =	vst v63  }
0x2f: {  	_ =	swait.ge [sflag:s14], $0x3E80  }
0x30: {  	s26 =	simm.s32 $0x800;
	s25 =	simm.s32 $0x100;
	[sflag:s14] =	ssyncset.done $0x0  }
.LBB2_2:
0x31: {  	s28 =	sadd.s32 $0x80, s25  }
0x32: {  	[sflag:s14] =	ssyncadd.s32 $0xFFFFC180;
	s29 =	smov.u32 s26;
	s30 =	sadd.s32 $0x400, s26  }
0x33: {  	[tilespmem:s18], [sflag:$0x2] =	stream.indirect.gather [hbm4b:s1+s16], $0x80, s28, s16, $0xb8;
	[tilespmem:$0x1E800] =	vst v63  }
0x34: {  	p0 =	sne.s32 s26, $0x4800;
	_ =	swait.ge [sflag:s19], $0x3E80  }
0x35: {  	[sflag:s19] =	ssyncset.done $0x0  }
0x36: {  	s26 =	sadd.s32 $0x1400, s25;
	[sflag:s19] =	ssyncadd.s32 $0xFFFFC180  }
0x37: {  	[spmem:s2] =	stream.indirect.scatter.add.f32 [tilespmem:s17], [sflag:$0x3], $0x80, s26, s16, $0xb8;
	[tilespmem:$0x1E800] =	vst v63  }
0x38: {  	_ =	swait.ge [sflag:s14], $0x3E80  }
0x39: {  	[sflag:s14] =	ssyncset.done $0x0  }
0x3a: {  	s26 =	sadd.s32 $0x100, s25;
	[sflag:s14] =	ssyncadd.s32 $0xFFFFC180  }
0x3b: {  	[tilespmem:s17], [sflag:$0x1] =	stream.indirect.gather [hbm4b:s1+s16], $0x80, s26, s16, $0xb8;
	[tilespmem:$0x1E800] =	vst v63  }
0x3c: {  	_ =	swait.ge [sflag:s20], $0x3E80  }
.Ltmp0:
0x3d: {  	[sflag:s20] =	ssyncset.done $0x0;
	(pc) =	sbr.rel @p0 .LBB2_2-.Ltmp0, $4  }
0x3e: {  	s25 =	sadd.s32 $0x1480, s25;
	[sflag:s20] =	ssyncadd.s32 $0xFFFFC180  }
0x3f: {  	[spmem:s2] =	stream.indirect.scatter.add.f32 [tilespmem:s18], [sflag:$0x3], $0x80, s25, s16, $0xb8;
	[tilespmem:$0x1E800] =	vst v63  }
0x40: {  	_ =	swait.ge [sflag:s14], $0x3E80  }
0x41: {  	s26 =	smov.u32 s30;
	s25 =	sshra.s32 s29, $0x2;
	[sflag:s14] =	ssyncset.done $0x0  }
0x42: {  	s26 =	sadd.s32 $0x80, s25;
	[sflag:s14] =	ssyncadd.s32 $0xFFFFC180  }
0x43: {  	[tilespmem:s18], [sflag:$0x2] =	stream.indirect.gather [hbm4b:s1+s16], $0x80, s26, s16, $0xb8;
	[tilespmem:$0x1E800] =	vst v63  }
0x44: {  	_ =	swait.ge [sflag:s19], $0x3E80  }
0x45: {  	[sflag:s19] =	ssyncset.done $0x0  }
0x46: {  	s29 =	sadd.s32 $0x1400, s25;
	[sflag:s19] =	ssyncadd.s32 $0xFFFFC180  }
0x47: {  	[spmem:s2] =	stream.indirect.scatter.add.f32 [tilespmem:s17], [sflag:$0x3], $0x80, s29, s16, $0xb8;
	[tilespmem:$0x1E800] =	vst v63  }
0x48: {  	_ =	swait.ge [sflag:s14], $0x3E80  }
0x49: {  	[sflag:s14] =	ssyncset.done $0x0  }
0x4a: {  	s30 =	sadd.s32 $0x100, s25;
	[sflag:s14] =	ssyncadd.s32 $0xFFFFC180  }
0x4b: {  	[tilespmem:s17], [sflag:$0x1] =	stream.indirect.gather [hbm4b:s1+s16], $0x80, s30, s16, $0xb8;
	[tilespmem:$0x1E800] =	vst v63  }
0x4c: {  	_ =	swait.ge [sflag:s20], $0x3E80  }
0x4d: {  	[sflag:s20] =	ssyncset.done $0x0  }
0x4e: {  	s31 =	sadd.s32 $0x1480, s25;
	[sflag:s20] =	ssyncadd.s32 $0xFFFFC180  }
0x4f: {  	[spmem:s2] =	stream.indirect.scatter.add.f32 [tilespmem:s18], [sflag:$0x3], $0x80, s31, s16, $0xb8;
	[tilespmem:$0x1E800] =	vst v63  }
0x50: {  	_ =	swait.ge [sflag:s14], $0x3E80  }
0x51: {  	[sflag:s14] =	ssyncset.done $0x0  }
0x52: {  	[sflag:s14] =	ssyncadd.s32 $0xFFFFC180  }
0x53: {  	[tilespmem:s18], [sflag:$0x2] =	stream.indirect.gather [hbm4b:s1+s16], $0x80, s21, s16, $0xb8;
	[tilespmem:$0x1E800] =	vst v63  }
0x54: {  	_ =	swait.ge [sflag:s19], $0x3E80  }
0x55: {  	[sflag:s19] =	ssyncset.done $0x0  }
0x56: {  	[sflag:s19] =	ssyncadd.s32 $0xFFFFC180  }
0x57: {  	[spmem:s2] =	stream.indirect.scatter.add.f32 [tilespmem:s17], [sflag:$0x3], $0x80, s22, s16, $0xb8;
	[tilespmem:$0x1E800] =	vst v63  }
0x58: {  	_ =	swait.ge [sflag:s14], $0x3E80  }
0x59: {  	[sflag:s14] =	ssyncset.done $0x0  }
0x5a: {  	[sflag:s14] =	ssyncadd.s32 $0xFFFFC180  }
0x5b: {  	[tilespmem:s17], [sflag:$0x1] =	stream.indirect.gather [hbm4b:s1+s16], $0x80, s21, s16, $0xb8;
	[tilespmem:$0x1E800] =	vst v63  }
0x5c: {  	_ =	swait.ge [sflag:s20], $0x3E80  }
0x5d: {  	[sflag:s20] =	ssyncset.done $0x0  }
0x5e: {  	[sflag:s20] =	ssyncadd.s32 $0xFFFFC180  }
0x5f: {  	[spmem:s2] =	stream.indirect.scatter.add.f32 [tilespmem:s18], [sflag:$0x3], $0x80, s23, s16, $0xb8;
	[tilespmem:$0x1E800] =	vst v63  }
0x60: {  	_ =	swait.ge [sflag:s14], $0x3E80  }
0x61: {  	[sflag:s14] =	ssyncset.done $0x0  }
0x62: {  	[sflag:s14] =	ssyncadd.s32 $0xFFFFC180  }
0x63: {  	_ =	swait.ge [sflag:s19], $0x3E80  }
0x64: {  	[sflag:s19] =	ssyncset.done $0x0  }
0x65: {  	s26 =	simm.s32 $0x0;
	[sflag:s19] =	ssyncadd.s32 $0xFFFFC180  }
0x66: {  	[tilespmem:s26], [sflag:$0x3] =	stream.linear.gather [hbm4b:s9+s26], $0x1400, $0x38;
	[tilespmem:$0x1E800] =	vst v63  }
0x67: {  	_ =	swait.ge [sflag:s14], $0x1400  }
0x68: {  	[sflag:s14] =	ssyncset.done $0x0  }
0x69: {  	[sflag:s14] =	ssyncadd.s32 $0xFFFFEC00  }
0x6a: {  	[tilespmem:s15], [sflag:$0x3] =	stream.linear.gather [hbm4b:s10+s26], $0x1400, $0x38;
	[tilespmem:$0x1E800] =	vst v63  }
0x6b: {  	_ =	swait.ge [sflag:s14], $0x1400  }
0x6c: {  	[sflag:s14] =	ssyncset.done $0x0  }
0x6d: {  	[sflag:s14] =	ssyncadd.s32 $0xFFFFEC00  }
0x6e: {  	[tilespmem:s17], [sflag:$0x1] =	stream.indirect.gather [hbm4b:s1+s16], $0x80, s26, s16, $0xb8;
	[tilespmem:$0x1E800] =	vst v63  }
0x6f: {  	s28 =	simm.s32 $0x80  }
0x70: {  	[tilespmem:s18], [sflag:$0x2] =	stream.indirect.gather [hbm4b:s1+s16], $0x80, s28, s16, $0xb8;
	[tilespmem:$0x1E800] =	vst v63  }
0x71: {  	_ =	swait.ge [sflag:s19], $0x3E80  }
0x72: {  	[sflag:s19] =	ssyncset.done $0x0  }
0x73: {  	s29 =	simm.s32 $0x1400;
	[sflag:s19] =	ssyncadd.s32 $0xFFFFC180  }
0x74: {  	[spmem:s2] =	stream.indirect.scatter.add.f32 [tilespmem:s17], [sflag:$0x3], $0x80, s29, s16, $0xb8;
	[tilespmem:$0x1E800] =	vst v63  }
0x75: {  	_ =	swait.ge [sflag:s14], $0x3E80  }
0x76: {  	[sflag:s14] =	ssyncset.done $0x0  }
0x77: {  	s30 =	simm.s32 $0x100;
	[sflag:s14] =	ssyncadd.s32 $0xFFFFC180  }
0x78: {  	[tilespmem:s17], [sflag:$0x1] =	stream.indirect.gather [hbm4b:s1+s16], $0x80, s30, s16, $0xb8;
	[tilespmem:$0x1E800] =	vst v63  }
0x79: {  	_ =	swait.ge [sflag:s20], $0x3E80  }
0x7a: {  	[sflag:s20] =	ssyncset.done $0x0  }
0x7b: {  	s31 =	simm.s32 $0x1480;
	[sflag:s20] =	ssyncadd.s32 $0xFFFFC180  }
0x7c: {  	[spmem:s2] =	stream.indirect.scatter.add.f32 [tilespmem:s18], [sflag:$0x3], $0x80, s31, s16, $0xb8;
	[tilespmem:$0x1E800] =	vst v63  }
0x7d: {  	_ =	swait.ge [sflag:s14], $0x3E80  }
0x7e: {  	s25 =	simm.s32 $0x100;
	s26 =	simm.s32 $0x800;
	[sflag:s14] =	ssyncset.done $0x0  }
.LBB2_4:
0x7f: {  	s28 =	sadd.s32 $0x80, s25  }
0x80: {  	[sflag:s14] =	ssyncadd.s32 $0xFFFFC180;
	s29 =	smov.u32 s26;
	s30 =	sadd.s32 $0x400, s26  }
0x81: {  	[tilespmem:s18], [sflag:$0x2] =	stream.indirect.gather [hbm4b:s1+s16], $0x80, s28, s16, $0xb8;
	[tilespmem:$0x1E800] =	vst v63  }
0x82: {  	p0 =	sne.s32 s26, $0x4800;
	_ =	swait.ge [sflag:s19], $0x3E80  }
0x83: {  	[sflag:s19] =	ssyncset.done $0x0  }
0x84: {  	s26 =	sadd.s32 $0x1400, s25;
	[sflag:s19] =	ssyncadd.s32 $0xFFFFC180  }
0x85: {  	[spmem:s2] =	stream.indirect.scatter.add.f32 [tilespmem:s17], [sflag:$0x3], $0x80, s26, s16, $0xb8;
	[tilespmem:$0x1E800] =	vst v63  }
0x86: {  	_ =	swait.ge [sflag:s14], $0x3E80  }
0x87: {  	[sflag:s14] =	ssyncset.done $0x0  }
0x88: {  	s26 =	sadd.s32 $0x100, s25;
	[sflag:s14] =	ssyncadd.s32 $0xFFFFC180  }
0x89: {  	[tilespmem:s17], [sflag:$0x1] =	stream.indirect.gather [hbm4b:s1+s16], $0x80, s26, s16, $0xb8;
	[tilespmem:$0x1E800] =	vst v63  }
0x8a: {  	_ =	swait.ge [sflag:s20], $0x3E80  }
.Ltmp1:
0x8b: {  	[sflag:s20] =	ssyncset.done $0x0;
	(pc) =	sbr.rel @p0 .LBB2_4-.Ltmp1, $4  }
0x8c: {  	s25 =	sadd.s32 $0x1480, s25;
	[sflag:s20] =	ssyncadd.s32 $0xFFFFC180  }
0x8d: {  	[spmem:s2] =	stream.indirect.scatter.add.f32 [tilespmem:s18], [sflag:$0x3], $0x80, s25, s16, $0xb8;
	[tilespmem:$0x1E800] =	vst v63  }
0x8e: {  	_ =	swait.ge [sflag:s14], $0x3E80  }
0x8f: {  	s26 =	smov.u32 s30;
	s25 =	sshra.s32 s29, $0x2;
	[sflag:s14] =	ssyncset.done $0x0  }
0x90: {  	s26 =	sadd.s32 $0x80, s25;
	[sflag:s14] =	ssyncadd.s32 $0xFFFFC180  }
0x91: {  	[tilespmem:s18], [sflag:$0x2] =	stream.indirect.gather [hbm4b:s1+s16], $0x80, s26, s16, $0xb8;
	[tilespmem:$0x1E800] =	vst v63  }
0x92: {  	_ =	swait.ge [sflag:s19], $0x3E80  }
0x93: {  	[sflag:s19] =	ssyncset.done $0x0  }
0x94: {  	s29 =	sadd.s32 $0x1400, s25;
	[sflag:s19] =	ssyncadd.s32 $0xFFFFC180  }
0x95: {  	[spmem:s2] =	stream.indirect.scatter.add.f32 [tilespmem:s17], [sflag:$0x3], $0x80, s29, s16, $0xb8;
	[tilespmem:$0x1E800] =	vst v63  }
0x96: {  	_ =	swait.ge [sflag:s14], $0x3E80  }
0x97: {  	[sflag:s14] =	ssyncset.done $0x0  }
0x98: {  	s30 =	sadd.s32 $0x100, s25;
	[sflag:s14] =	ssyncadd.s32 $0xFFFFC180  }
0x99: {  	[tilespmem:s17], [sflag:$0x1] =	stream.indirect.gather [hbm4b:s1+s16], $0x80, s30, s16, $0xb8;
	[tilespmem:$0x1E800] =	vst v63  }
0x9a: {  	_ =	swait.ge [sflag:s20], $0x3E80  }
0x9b: {  	[sflag:s20] =	ssyncset.done $0x0  }
0x9c: {  	s31 =	sadd.s32 $0x1480, s25;
	[sflag:s20] =	ssyncadd.s32 $0xFFFFC180  }
0x9d: {  	[spmem:s2] =	stream.indirect.scatter.add.f32 [tilespmem:s18], [sflag:$0x3], $0x80, s31, s16, $0xb8;
	[tilespmem:$0x1E800] =	vst v63  }
0x9e: {  	_ =	swait.ge [sflag:s14], $0x3E80  }
0x9f: {  	[sflag:s14] =	ssyncset.done $0x0  }
0xa0: {  	[sflag:s14] =	ssyncadd.s32 $0xFFFFC180  }
0xa1: {  	[tilespmem:s18], [sflag:$0x2] =	stream.indirect.gather [hbm4b:s1+s16], $0x80, s21, s16, $0xb8;
	[tilespmem:$0x1E800] =	vst v63  }
0xa2: {  	_ =	swait.ge [sflag:s19], $0x3E80  }
0xa3: {  	[sflag:s19] =	ssyncset.done $0x0  }
0xa4: {  	[sflag:s19] =	ssyncadd.s32 $0xFFFFC180  }
0xa5: {  	[spmem:s2] =	stream.indirect.scatter.add.f32 [tilespmem:s17], [sflag:$0x3], $0x80, s22, s16, $0xb8;
	[tilespmem:$0x1E800] =	vst v63  }
0xa6: {  	_ =	swait.ge [sflag:s14], $0x3E80  }
0xa7: {  	[sflag:s14] =	ssyncset.done $0x0  }
0xa8: {  	[sflag:s14] =	ssyncadd.s32 $0xFFFFC180  }
0xa9: {  	[tilespmem:s17], [sflag:$0x1] =	stream.indirect.gather [hbm4b:s1+s16], $0x80, s21, s16, $0xb8;
	[tilespmem:$0x1E800] =	vst v63  }
0xaa: {  	_ =	swait.ge [sflag:s20], $0x3E80  }
0xab: {  	[sflag:s20] =	ssyncset.done $0x0  }
0xac: {  	[sflag:s20] =	ssyncadd.s32 $0xFFFFC180  }
0xad: {  	[spmem:s2] =	stream.indirect.scatter.add.f32 [tilespmem:s18], [sflag:$0x3], $0x80, s23, s16, $0xb8;
	[tilespmem:$0x1E800] =	vst v63  }
0xae: {  	_ =	swait.ge [sflag:s14], $0x3E80  }
0xaf: {  	[sflag:s14] =	ssyncset.done $0x0  }
0xb0: {  	[sflag:s14] =	ssyncadd.s32 $0xFFFFC180  }
0xb1: {  	_ =	swait.ge [sflag:s19], $0x3E80  }
0xb2: {  	s24 =	sadd.s32 $0x1, s24;
	[sflag:s19] =	ssyncset.done $0x0  }
0xb3: {  	p0 =	sne.s32 s24, s12;
	[sflag:s19] =	ssyncadd.s32 $0xFFFFC180  }
.Ltmp2:
0xb4: {  	[bflag:$0x0] =	sbarrier.arrive $0xFFFF;
	(pc) =	sbr.rel @p0 .LBB2_1-.Ltmp2, $4  }
0xb5: {  	[hbm:s11], [sflag:s6] =	dma.local [spmem:s13], $0x2800  }
0xb6: {  	_ =	swait.ge [sflag:s14], $0x2800  }
0xb7: {  	[sflag:s14] =	ssyncset.done $0x0  }
0xb8: {  	[sflag:s14] =	ssyncadd.s32 $0xFFFFD800  }
0xb9: {  	_ =	sfence.sel $0x180000  }
0xba: {  	[bflag:$0x0] =	sbarrier.arrive $0xFFFF  }
0xbb: {  	p0 =	sne.s32 s3, $0x0;
	_ =	strace $0x9000004D  }
0xbc: {  	s0 =	sadd.s32 @!p0 $0x100000, s0;
	[bflag:$0x2] =	sbarrier.arrive $0xFFFF  }
0xbd: {  	[sflag:s0] =	ssyncadd.tile.s32 @!p0 $0x1;
	_ =	shalt  }
.Lfunc_end2:
_tile_overlayer_lowered:
.L_overlay_start_2:
0xbe: {  	(tag) =	ssettag $0x2  }
0xbf: {  	s0 =	rddreg [dreg:$0x0];
	s2 =	stileid.u32  }
0xc0: {  	s1 =	rddreg [dreg:$0x1];
	p0 =	sne.s32 s2, $0x0  }
0xc1: {  	s3 =	rddreg [dreg:$0x2];
	[bflag:$0x3] =	sbarrier.arrive $0xFFFF;
	s2 =	simm.s32 @!p0 $0x1C03  }
0xc2: {  	[timem:s3], [sflag:s2] =	dma.local @!p0 [hbm:s0], s1  }
0xc3: {  	s0 =	simm.s32 @!p0 $0x3  }
0xc4: {  	_ =	swait.ge @!p0 [sflag:s0], s1  }
0xc5: {  	s1 =	ssub.s32 @!p0 $0x0, s1;
	[sflag:s0] =	ssyncset.done @!p0 $0x0  }
0xc6: {  	[sflag:s0] =	ssyncadd.s32 @!p0 s1  }
0xc7: {  	[bflag:$0x3] =	sbarrier.arrive $0xFFFF  }
0xc8: {  	_ =	shalt  }

// kernel: kernel.9.cloned.1.call-start
scs
__scs_entry_jumppad:
0x0: {  	(pc) =	sbr.rel $0x88, $3  }
0x1: {  	(tag) =	ssettag $0x0;
	lr =	simm.s32 $0x1  }
0x2: {  	[smem:$0x3F9B] =	sst lr;
	_ =	strace $0xD0000000  }
0x3: {  	_ = 	snop  }
0x4: {  	_ = 	snop  }
0x5: {  	_ = 	snop  }
0x6: {  	_ = 	snop  }
0x7: {  	_ = 	snop  }
__scs_overlays_trampoline_lowered:
0x8: {  	[smem:$0x3FAA] =	sst s0  }
0x9: {  	[smem:$0x3FAB] =	sst s1  }
0xa: {  	[smem:$0x3FAC] =	sst s2  }
0xb: {  	[smem:$0x3FAD] =	sst s3  }
0xc: {  	[smem:$0x3FAE] =	sst s4  }
0xd: {  	[smem:$0x3FAF] =	sst s5  }
0xe: {  	[smem:$0x3FB0] =	sst s6  }
0xf: {  	[smem:$0x3FB1] =	sst s7  }
0x10: {  	[smem:$0x3FB2] =	sst s8  }
0x11: {  	[smem:$0x3FB3] =	sst s9;
	s0 =	simm.s32 @!p0 $0x0  }
0x12: {  	s1 =	sld [smem:$0x3F99];
	s0 =	simm.s32 @p0 $0x1  }
0x13: {  	[smem:$0x3FB4] =	sst s0;
	s0 =	simm.s32 @!p1 $0x0  }
0x14: {  	s2 =	sld [smem:$0x3F98];
	s0 =	simm.s32 @p1 $0x1  }
0x15: {  	[smem:$0x3FB5] =	sst s0;
	s0 =	simm.s32 @!p2 $0x0  }
0x16: {  	s3 =	sld [smem:$0x3FDB];
	s0 =	simm.s32 @p2 $0x1  }
0x17: {  	s4 =	simm.s32 $0x1BF5;
	[smem:$0x3FB7] =	sst s0  }
0x18: {  	s0 =	sld [smem:$0x3F9A];
	_ =	swait.ge [sflag:s4], $0x0  }
0x19: {  	s7 =	sld [smem:$0x3F9B]  }
0x1a: {  	s8 =	sadd.s32 $0xFFFFE003, lr  }
0x1b: {  	s9 =	sadd.s32 $0xFFFFFEF7, lr;
	s5 =	simm.s32 $0xFFFFFFFF;
	p2 =	slt.u32 s8, $0xFFFFF086  }
0x1c: {  	p1 =	slt.u32 s9, $0xF7A;
	s5 =	simm.s32 @!p2 $0x0  }
0x1d: {  	s5 =	simm.s32 @p1 $0x1;
	p0 =	seq.s32 s7, s2  }
0x1e: {  	s7 =	smul.u32 @!p0 $0xF7A, s2;
	p2 =	seq.s32 @!p0 s5, $0x0  }
0x1f: {  	s9 =	smul.u32 $0xF7A, s1;
	s8 =	simm.s32 @!p0 $0x1BF5;
	p2 =	por !p2, p0  }
0x20: {  	[sflag:s8] =	ssyncset.s32 @!p0 $0xFFFFF086;
	s6 =	sadd.s32 @!p0 s3, s7;
	s7 =	simm.s32 @!p0 $0x108  }
0x21: {  	s3 =	sadd.s32 s3, s9;
	s6 =	sadd.s32 @!p0 $0x88, s6;
	s7 =	simm.s32 @p2 $0x1082  }
0x22: {  	[simem:s7], [sflag:s8] =	dma.local @!p0 [hbm:s6], $0xF7A  }
0x23: {  	s9 =	sor.u32 $0xD0000000, s2;
	s6 =	simm.s32 $0x108;
	_ =	swait.ge @!p0 [sflag:s8], $0x0  }
0x24: {  	s3 =	sadd.s32 $0x88, s3;
	s6 =	simm.s32 @!p1 $0x1082;
	[sflag:s4] =	ssyncset.s32 $0xFFFFF086  }
0x25: {  	[simem:s6], [sflag:s4] =	dma.local [hbm:s3], $0xF7A  }
0x26: {  	[smem:$0x3F9B] =	sst s1;
	(tag) =	ssettag s2;
	_ =	strace s9  }
0x27: {  	s1 =	sld [smem:$0x3FAB]  }
0x28: {  	s2 =	sld [smem:$0x3FAC]  }
0x29: {  	s4 =	sld [smem:$0x3FAE]  }
0x2a: {  	p0 =	seq.s32 s5, $0x0;
	s5 =	sld [smem:$0x3FAF]  }
0x2b: {  	s6 =	sld [smem:$0x3FB0]  }
0x2c: {  	s7 =	sld [smem:$0x3FB1]  }
0x2d: {  	s3 =	simm.s32 $0x108;
	s8 =	sld [smem:$0x3FB2]  }
0x2e: {  	s3 =	simm.s32 @!p0 $0x1082;
	s9 =	sld [smem:$0x3FB3]  }
0x2f: {  	lr =	sadd.s32 s0, s3;
	s0 =	sld [smem:$0x3FAA]  }
0x30: {  	s3 =	sld [smem:$0x3FAD]  }
0x31: {  	[smem:$0x3FB6] =	sst s10  }
0x32: {  	s10 =	sld [smem:$0x3FB4];
	_ =	sdelay $0x3  }
0x33: {  	p0 =	seq.s32 s10, $0x1;
	s10 =	sld [smem:$0x3FB6];
	_ =	sdelay $0x3  }
0x34: {  	[smem:$0x3FB6] =	sst s10  }
0x35: {  	s10 =	sld [smem:$0x3FB5];
	_ =	sdelay $0x3  }
0x36: {  	p1 =	seq.s32 s10, $0x1;
	s10 =	sld [smem:$0x3FB6];
	_ =	sdelay $0x3  }
0x37: {  	[smem:$0x3FB6] =	sst s10  }
0x38: {  	s10 =	sld [smem:$0x3FB7]  }
0x39: {  	_ = 	snop;
	(pc) =	sbr.ind lr, $3  }
0x3a: {  	_ = 	snop  }
0x3b: {  	_ = 	snop  }
0x3c: {  	p2 =	seq.s32 s10, $0x1;
	s10 =	sld [smem:$0x3FB6]  }
0x3d: {  	_ =	shalt  }
0x3e: {  	_ =	shalt  }
0x3f: {  	_ =	shalt  }
0x40: {  	_ =	shalt  }
0x41: {  	_ =	shalt  }
0x42: {  	_ =	shalt  }
0x43: {  	_ =	shalt  }
0x44: {  	_ =	shalt  }
0x45: {  	_ =	shalt  }
0x46: {  	_ =	shalt  }
0x47: {  	_ =	shalt  }
0x48: {  	_ =	shalt  }
0x49: {  	_ =	shalt  }
0x4a: {  	_ =	shalt  }
0x4b: {  	_ =	shalt  }
0x4c: {  	_ =	shalt  }
0x4d: {  	_ =	shalt  }
0x4e: {  	_ =	shalt  }
0x4f: {  	_ =	shalt  }
0x50: {  	_ =	shalt  }
0x51: {  	_ =	shalt  }
0x52: {  	_ =	shalt  }
0x53: {  	_ =	shalt  }
0x54: {  	_ =	shalt  }
0x55: {  	_ =	shalt  }
0x56: {  	_ =	shalt  }
0x57: {  	_ =	shalt  }
0x58: {  	_ =	shalt  }
0x59: {  	_ =	shalt  }
0x5a: {  	_ =	shalt  }
0x5b: {  	_ =	shalt  }
0x5c: {  	_ =	shalt  }
0x5d: {  	_ =	shalt  }
0x5e: {  	_ =	shalt  }
0x5f: {  	_ =	shalt  }
0x60: {  	_ =	shalt  }
0x61: {  	_ =	shalt  }
0x62: {  	_ =	shalt  }
0x63: {  	_ =	shalt  }
0x64: {  	_ =	shalt  }
0x65: {  	_ =	shalt  }
0x66: {  	_ =	shalt  }
0x67: {  	_ =	shalt  }
0x68: {  	_ =	shalt  }
0x69: {  	_ =	shalt  }
0x6a: {  	_ =	shalt  }
0x6b: {  	_ =	shalt  }
0x6c: {  	_ =	shalt  }
0x6d: {  	_ =	shalt  }
0x6e: {  	_ =	shalt  }
0x6f: {  	_ =	shalt  }
0x70: {  	_ =	shalt  }
0x71: {  	_ =	shalt  }
0x72: {  	_ =	shalt  }
0x73: {  	_ =	shalt  }
0x74: {  	_ =	shalt  }
0x75: {  	_ =	shalt  }
0x76: {  	_ =	shalt  }
0x77: {  	_ =	shalt  }
0x78: {  	_ =	shalt  }
0x79: {  	_ =	shalt  }
0x7a: {  	_ =	shalt  }
0x7b: {  	_ =	shalt  }
0x7c: {  	_ =	shalt  }
0x7d: {  	_ =	shalt  }
0x7e: {  	_ =	shalt  }
0x7f: {  	_ =	shalt  }
0x80: {  	_ =	shalt  }
0x81: {  	_ =	shalt  }
0x82: {  	_ =	shalt  }
0x83: {  	_ =	shalt  }
0x84: {  	_ =	shalt  }
0x85: {  	_ =	shalt  }
0x86: {  	_ =	shalt  }
0x87: {  	_ =	shalt  }
.Lfunc_end0:
.L_simem_size_0:
called_computation_lowered:
.L_overlay_start_0:
0x88: {  	s2 =	sld [smem:$0x3FD9]  }
0x89: {  	s3 =	sld [smem:$0x3FFE];
	_ =	sdelay $0x1  }
0x8a: {  	s1 =	srdreg.scid  }
0x8b: {  	s0 =	sand.u32 $0x1, s1  }
0x8c: {  	s14 =	sshll.u32 s0, $0xA;
	s2 =	sadd.s32 s3, s2  }
0x8d: {  	s2 =	sadd.s32 s2, s14  }
0x8e: {  	[smem:$0x3FC2] =	sst s2  }
0x8f: {  	_ = 	snop  }
0x90: {  	s2 =	sld [smem:$0x3FD0];
	_ =	sdelay $0x2  }
0x91: {  	s15 =	simm.s32 $0xA;
	s4 =	simm.s32 $0x10  }
0x92: {  	[smem:s4], [sflag:s15] =	dma.local [hbm:s2], $0x1  }
0x93: {  	_ =	swait.eq [sflag:s15], $0x1  }
0x94: {  	[sflag:s15] =	ssyncset.done $0x0  }
0x95: {  	[sflag:s15] =	ssyncadd.s32 $0xFFFFFFFF  }
0x96: {  	s16 =	sld [smem:$0x10];
	(tm) =	ssettm $0x1  }
0x97: {  	s17 =	sld [smem:$0x3FFB];
	_ =	sdelay $0x3  }
0x98: {  	_ =	strace s17  }
0x99: {  	s3 =	sld [smem:$0x3FFC];
	_ =	sdelay $0x3  }
0x9a: {  	_ =	strace s3  }
0x9b: {  	s3 =	sld [smem:$0x3FFD];
	_ =	sdelay $0x3  }
0x9c: {  	_ =	strace s3  }
0x9d: {  	_ =	strace $0x8FFFFFFF  }
0x9e: {  	s18 =	sld [smem:$0x3FDB];
	_ =	sdelay $0x1  }
0x9f: {  	s19 =	simm.s32 $_scs_section_size  }
0xa0: {  	s5 =	simm.s32 $_size__tile_overlayer_lowered;
	s6 =	simm.s32 $_tile_overlayer_lowered  }
0xa1: {  	s22 =	simm.s32 $0x1BFF;
	s21 =	sshll.u32 s6, $0x1;
	s3 =	sadd.s32 s19, s18  }
0xa2: {  	s7 =	simm.s32 $0x0;
	s20 =	sshll.u32 s5, $0x1;
	s5 =	sadd.s32 s21, s3  }
0xa3: {  	[timem:s7], [sflag:s22] =	dma.local [hbm:s5], s20  }
0xa4: {  	_ =	swait.ge [sflag:s22], s20  }
0xa5: {  	s4 =	ssub.s32 $0x0, s20;
	[sflag:s22] =	ssyncset.done $0x0  }
0xa6: {  	[sflag:s22] =	ssyncadd.s32 s4;
	_ =	sdelay $0x1  }
0xa7: {  	s23 =	simm.s32 $0x1B8B  }
0xa8: {  	_ =	swait.ge [sflag:s23], $0x1  }
0xa9: {  	[sflag:s23] =	ssyncset.done $0x0  }
0xaa: {  	s25 =	simm.s32 $0x1B8E;
	s24 =	sld [smem:$0x3FFE];
	[sflag:s23] =	ssyncadd.s32 $0xFFFFFFFF  }
0xab: {  	s26 =	simm.s32 $execute0_lowered;
	[smem:$0x3FD2] =	sst s25  }
0xac: {  	s5 =	sshll.u32 s26, $0x1;
	_ =	strace $0x80000046;
	[dreg:$0x1] =	wrdreg $0xFFFFFFFF  }
0xad: {  	s28 =	simm.s32 $_size_execute0_lowered;
	s3 =	sadd.s32 s3, s5;
	[dreg:$0x0] =	wrdreg $0x0  }
0xae: {  	s5 =	sshll.u32 s28, $0x1;
	[dreg:$0x2] =	wrdreg s3  }
0xaf: {  	[dreg:$0x3] =	wrdreg s5  }
0xb0: {  	[dreg:$0x4] =	wrdreg $0xC0  }
0xb1: {  	_ =	task [dreg:s7], $0x5FFFF  }
0xb2: {  	[dreg:$0x1] =	wrdreg $0xFFFFFFFF  }
0xb3: {  	[dreg:$0x0] =	wrdreg $0x60  }
0xb4: {  	[dreg:$0x2] =	wrdreg s24  }
0xb5: {  	[dreg:$0x3] =	wrdreg s16  }
0xb6: {  	[dreg:$0x4] =	wrdreg $0x68000  }
0xb7: {  	[dreg:$0x5] =	wrdreg $0x9  }
0xb8: {  	_ =	task.clear_ibuf [dreg:s7], $0x6FFFF;
	_ =	strace $0x90000046  }
0xb9: {  	s29 =	simm.s32 $0x9;
	_ =	strace $0x80000048  }
0xba: {  	_ =	swait.ge [sflag:s29], $0x1  }
0xbb: {  	[sflag:s29] =	ssyncadd.s32 $0xFFFFFFFF  }
0xbc: {  	_ =	strace $0x90000048  }
0xbd: {  	_ =	sfence  }
0xbe: {  	s30 =	sld [smem:$0x0];
	_ =	sdelay $0x2  }
0xbf: {  	s31 =	sshll.u32 s1, $0xD;
	s1 =	sshrl.u32 s1, $0x2  }
0xc0: {  	s3 =	sand.u32 $0x4000, s31;
	s1 =	sadd.s32 s1, s30  }
0xc1: {  	s0 =	sor.u32 s3, s0;
	s1 =	sshll.u32 s1, $0x11  }
0xc2: {  	s0 =	sor.u32 s1, s0  }
0xc3: {  	s0 =	sadd.s32 $0x8F2B, s0  }
0xc4: {  	[sflag:s0] =	ssyncadd.remote.s32 $0x1  }
0xc5: {  	_ =	sfence.sel $0xFFFF  }
0xc6: {  	[dreg:$0x0] =	wrdreg $0xFFFFFFFF;
	(pc) =	sbr.abs _section_cstart, $3  }
0xc7: {  	[dreg:$0x1] =	wrdreg $0xFFFFFFFF  }
0xc8: {  	_ =	task.clear_ibuf [dreg:s7], $0x2FFFF;
	_ =	strace $0x9FFFFFFF  }
0xc9: {  	(tm) =	ssettm $0x7FFFFFFF  }
tec
execute0_lowered:
.L_overlay_start_1:
0x0: {  	(tag) =	ssettag $0x1  }
0x1: {  	s7 =	rddreg [dreg:$0x0]  }
0x2: {  	s0 =	srdreg.scid;
	s2 =	rddreg [dreg:$0x1]  }
0x3: {  	s3 =	rddreg [dreg:$0x2];
	s4 =	simm.s32 $0x0;
	s6 =	sand.u32 $0x1, s0  }
0x4: {  	s13 =	simm.s32 $0x7D;
	s0 =	stileid.u32;
	s8 =	smul.u32 $0x140000, s6  }
0x5: {  	s14 =	simm.s32 $0x0;
	[smem:$0x7FF] =	sst s4;
	s9 =	smul.u32 $0x14000, s0  }
0x6: {  	s1 =	sshll.u32 s6, $0x4;
	s29 =	smul.u32 $0x50000, s0;
	s6 =	ssub.s32 $0x2, s6  }
0x7: {  	s31 =	sshll.u32 s0, $0x6;
	s1 =	sor.u32 s0, s1;
	s30 =	sshrl.u32 s6, $0x1  }
0x8: {  	s5 =	smul.u32 $0x500, s1;
	s1 =	rddreg [dreg:$0x3];
	_ =	strace $0x80000047  }
0x9: {  	s8 =	sadd.s32 s9, s8;
	s9 =	sshrl.u32 s29, $0x2;
	s11 =	ssub.s32 s6, s30  }
0xa: {  	s6 =	sor.u32 $0x1C01, s31;
	s8 =	sshrl.u32 s8, $0x3;
	s12 =	sadd.s32 s9, s3  }
0xb: {  	s9 =	smax.u32 s11, $0x1;
	s11 =	simm.s32 $0x1;
	s10 =	sadd.s32 s5, s7  }
0xc: {  	s5 =	sadd.s32 $0xCA00, s7;
	s8 =	sadd.s32 s8, s7;
	s7 =	sadd.s32 $0x2A00, s10  }
0xd: {  	s8 =	sadd.s32 $0xF200, s8;
	s10 =	sshrl.u32 s12, $0x3;
	s12 =	simm.s32 $0x2800  }
.LBB2_1:
0xe: {  	[spmem:s10], [sflag:s6] =	dma.local [hbm:s5], $0x2800  }
0xf: {  	_ =	swait.ge [sflag:s11], $0x2800  }
0x10: {  	[sflag:s11] =	ssyncset.done $0x0  }
0x11: {  	[sflag:s11] =	ssyncadd.s32 $0xFFFFD800  }
0x12: {  	[tilespmem:s12], [sflag:$0x1] =	stream.linear.gather [hbm4b:s2+s4], $0x3E80, $0x38;
	[tilespmem:$0x1A800] =	vst v63  }
0x13: {  	_ =	swait.ge [sflag:s11], $0x3E80  }
0x14: {  	[sflag:s11] =	ssyncset.done $0x0  }
0x15: {  	[sflag:s11] =	ssyncadd.s32 $0xFFFFC180  }
0x16: {  	[tilespmem:s4], [sflag:$0x1] =	stream.linear.gather [hbm4b:s7+s4], $0x2800, $0x38;
	[tilespmem:$0x1A800] =	vst v63  }
0x17: {  	_ =	swait.ge [sflag:s11], $0x2800  }
0x18: {  	[sflag:s11] =	ssyncset.done $0x0  }
0x19: {  	[sflag:s11] =	ssyncadd.s32 $0xFFFFD800  }
0x1a: {  	s15 =	simm.s32 $0x0;
	[bflag:$0x0] =	sbarrier.arrive $0xFFFF  }
0x1b: {  	[spmem:s3] =	stream.indirect.scatter.add.f32 [tilespmem:s12], [sflag:$0x1], $0x80, s15, s13, $0xb8;
	[tilespmem:$0x1A800] =	vst v63  }
0x1c: {  	_ =	swait.ge [sflag:s11], $0x3E80  }
0x1d: {  	s15 =	simm.s32 $0x200;
	[sflag:s11] =	ssyncset.done $0x0  }
.LBB2_2:
0x1e: {  	s16 =	sshra.s32 s15, $0x2;
	[sflag:s11] =	ssyncadd.s32 $0xFFFFC180;
	p0 =	sne.s32 s15, $0x9E00  }
0x1f: {  	[spmem:s3] =	stream.indirect.scatter.add.f32 [tilespmem:s12], [sflag:$0x1], $0x80, s16, s13, $0xb8;
	[tilespmem:$0x1A800] =	vst v63  }
.Ltmp0:
0x20: {  	_ = 	snop;
	(pc) =	sbr.rel @p0 .LBB2_2-.Ltmp0, $4  }
0x21: {  	_ = 	snop  }
0x22: {  	s15 =	sadd.s32 $0x200, s15  }
0x23: {  	_ =	swait.ge [sflag:s11], $0x3E80  }
0x24: {  	[sflag:s11] =	ssyncset.done $0x0  }
0x25: {  	s14 =	sadd.s32 $0x1, s14  }
0x26: {  	[sflag:s11] =	ssyncadd.s32 $0xFFFFC180;
	p0 =	sne.s32 s14, s9  }
.Ltmp1:
0x27: {  	[bflag:$0x0] =	sbarrier.arrive $0xFFFF;
	(pc) =	sbr.rel @p0 .LBB2_1-.Ltmp1, $4  }
0x28: {  	[hbm:s8], [sflag:s6] =	dma.local [spmem:s10], $0x2800  }
0x29: {  	_ =	swait.ge [sflag:s11], $0x2800  }
0x2a: {  	[sflag:s11] =	ssyncset.done $0x0  }
0x2b: {  	[sflag:s11] =	ssyncadd.s32 $0xFFFFD800  }
0x2c: {  	_ =	sfence.sel $0x180000  }
0x2d: {  	[bflag:$0x0] =	sbarrier.arrive $0xFFFF  }
0x2e: {  	p0 =	sne.s32 s0, $0x0;
	_ =	strace $0x90000047  }
0x2f: {  	s0 =	sadd.s32 @!p0 $0x100000, s1;
	[bflag:$0x2] =	sbarrier.arrive $0xFFFF  }
0x30: {  	[sflag:s0] =	ssyncadd.tile.s32 @!p0 $0x1;
	_ =	shalt  }
.Lfunc_end2:
_tile_overlayer_lowered:
.L_overlay_start_2:
0x31: {  	(tag) =	ssettag $0x2  }
0x32: {  	s0 =	rddreg [dreg:$0x0];
	s2 =	stileid.u32  }
0x33: {  	s1 =	rddreg [dreg:$0x1];
	p0 =	sne.s32 s2, $0x0  }
0x34: {  	s3 =	rddreg [dreg:$0x2];
	[bflag:$0x3] =	sbarrier.arrive $0xFFFF;
	s2 =	simm.s32 @!p0 $0x1C01  }
0x35: {  	[timem:s3], [sflag:s2] =	dma.local @!p0 [hbm:s0], s1  }
0x36: {  	s0 =	simm.s32 @!p0 $0x1  }
0x37: {  	_ =	swait.ge @!p0 [sflag:s0], s1  }
0x38: {  	s1 =	ssub.s32 @!p0 $0x0, s1;
	[sflag:s0] =	ssyncset.done @!p0 $0x0  }
0x39: {  	[sflag:s0] =	ssyncadd.s32 @!p0 s1  }
0x3a: {  	[bflag:$0x3] =	sbarrier.arrive $0xFFFF  }
0x3b: {  	_ =	shalt  }

</sc_bundles>
